<compile_context>
chip_gen: v7x
topology: tpu7x:2x2x1
jax: 0.10.2.dev20260603
libtpu: 0.0.44.dev20260713+nightly
codegen_flags: <defaults>
</compile_context>

<pallas_src>
import dataclasses
import functools

import jax
import jax.numpy as jnp
from jax import lax
from jax.experimental import pallas as pl
from jax.experimental.pallas import tpu as pltpu
from jax.experimental.pallas import tpu_sc as plsc

N_NODES = 10000
N_PAD = 10240
N_EDGES = 320000
DIM = 128

NC = 2
NS = 16
NL = 16
NW = NC * NS
EPW = N_EDGES // NW
CHUNK = 80
NCHUNKS = EPW // CHUNK
REM = EPW % CHUNK
ROWS_PER_SUB = N_PAD // NS

_sc_mesh = plsc.VectorSubcoreMesh(core_axis_name="c", subcore_axis_name="s")

_sc_cp = pltpu.CompilerParams()
if "needs_layout_passes" in pltpu.CompilerParams.__dataclass_fields__:
  _sc_cp = dataclasses.replace(_sc_cp, needs_layout_passes=False)


NBUF = 4
NGROUPS = NCHUNKS // NBUF
NTAIL = NCHUNKS % NBUF


@functools.partial(
    pl.kernel,
    out_type=jax.ShapeDtypeStruct((NC, N_PAD, DIM), jnp.float32),
    mesh=_sc_mesh,
    scratch_types=(
        [pltpu.VMEM((CHUNK,), jnp.int32) for _ in range(2 * NBUF)]
        + [pltpu.VMEM((CHUNK, DIM), jnp.float32) for _ in range(NBUF)]
        + ([pltpu.VMEM((REM,), jnp.int32),
            pltpu.VMEM((REM,), jnp.int32),
            pltpu.VMEM((REM, DIM), jnp.float32)] if REM else [])
        + [
            pltpu.VMEM_SHARED((N_PAD, DIM), jnp.float32),
            pltpu.SemaphoreType.DMA,
            pltpu.SemaphoreType.DMA,
            pltpu.SemaphoreType.DMA,
        ]
    ),
)
def _sc_agg128(src_hbm, dst_hbm, table_hbm, zeros_hbm, out_hbm, *refs):
  srcs_v = refs[0:NBUF]
  dsts_v = refs[NBUF:2 * NBUF]
  rows_v = refs[2 * NBUF:3 * NBUF]
  if REM:
    srcT, dstT, rowsT = refs[3 * NBUF:3 * NBUF + 3]
  acc_sh, isem, gsem, ssem = refs[-4:]
  c = lax.axis_index("c")
  s = lax.axis_index("s")
  wid = c * NS + s
  row0 = s * ROWS_PER_SUB
  pltpu.sync_copy(zeros_hbm.at[pl.ds(row0, ROWS_PER_SUB)],
                  acc_sh.at[pl.ds(row0, ROWS_PER_SUB)])
  plsc.subcore_barrier()

  base0 = wid * EPW

  def do_group(base, nbuf):
    icopies = []
    for b in range(nbuf):
      icopies.append(
          (pltpu.async_copy(src_hbm.at[pl.ds(base + b * CHUNK, CHUNK)],
                            srcs_v[b], isem),
           pltpu.async_copy(dst_hbm.at[pl.ds(base + b * CHUNK, CHUNK)],
                            dsts_v[b], isem)))
    gathers = []
    for b in range(nbuf):
      icopies[b][0].wait()
      icopies[b][1].wait()
      gathers.append(pltpu.async_copy(
          table_hbm.at[srcs_v[b]], rows_v[b], gsem))
    scatters = []
    for b in range(nbuf):
      gathers[b].wait()
      scatters.append(pltpu.async_copy(
          rows_v[b], acc_sh.at[dsts_v[b]], ssem, add=True))
    for b in range(nbuf):
      scatters[b].wait()

  @pl.loop(0, NGROUPS)
  def _(j):
    do_group(base0 + j * (NBUF * CHUNK), NBUF)

  for t in range(NTAIL):
    do_group(base0 + (NGROUPS * NBUF + t) * CHUNK, 1)

  if REM:
    base = base0 + NCHUNKS * CHUNK
    pltpu.sync_copy(src_hbm.at[pl.ds(base, REM)], srcT)
    pltpu.sync_copy(dst_hbm.at[pl.ds(base, REM)], dstT)
    pltpu.async_copy(table_hbm.at[srcT], rowsT, gsem).wait()
    pltpu.sync_copy(rowsT, acc_sh.at[dstT], add=True)

  plsc.subcore_barrier()
  pltpu.sync_copy(acc_sh.at[pl.ds(row0, ROWS_PER_SUB)],
                  out_hbm.at[c, pl.ds(row0, ROWS_PER_SUB)])


@functools.partial(
    pl.kernel,
    out_type=jax.ShapeDtypeStruct((NW, N_PAD), jnp.float32),
    mesh=_sc_mesh,
    compiler_params=_sc_cp,
    scratch_types=[
        pltpu.VMEM((EPW,), jnp.int32),
        pltpu.VMEM((N_PAD,), jnp.float32),
    ],
)
def _sc_degree(dst_hbm, out_hbm, dst_v, acc_v):
  c = lax.axis_index("c")
  s = lax.axis_index("s")
  wid = c * NS + s

  zeros = jnp.zeros((NL,), jnp.float32)

  @pl.loop(0, N_PAD // NL)
  def _(j):
    acc_v[pl.ds(j * NL, NL)] = zeros

  pltpu.sync_copy(dst_hbm.at[pl.ds(wid * EPW, EPW)], dst_v)

  ones = jnp.ones((NL,), jnp.float32)

  @pl.loop(0, EPW // NL)
  def _(i):
    idx = dst_v[pl.ds(i * NL, NL)]
    plsc.addupdate_scatter(acc_v, [idx], ones)

  pltpu.sync_copy(acc_v, out_hbm.at[wid])


@functools.partial(
    pl.kernel,
    out_type=jax.ShapeDtypeStruct((NW, N_PAD), jnp.float32),
    mesh=_sc_mesh,
    compiler_params=_sc_cp,
    scratch_types=[
        pltpu.VMEM((EPW,), jnp.int32),
        pltpu.VMEM((EPW,), jnp.int32),
        pltpu.VMEM((N_PAD,), jnp.float32),
        pltpu.VMEM((N_PAD,), jnp.float32),
    ],
)
def _sc_agg_scalar(src_hbm, dst_hbm, table_hbm, out_hbm,
                   src_v, dst_v, tab_v, acc_v):
  c = lax.axis_index("c")
  s = lax.axis_index("s")
  wid = c * NS + s

  zeros = jnp.zeros((NL,), jnp.float32)

  @pl.loop(0, N_PAD // NL)
  def _(j):
    acc_v[pl.ds(j * NL, NL)] = zeros

  pltpu.sync_copy(table_hbm, tab_v)
  pltpu.sync_copy(src_hbm.at[pl.ds(wid * EPW, EPW)], src_v)
  pltpu.sync_copy(dst_hbm.at[pl.ds(wid * EPW, EPW)], dst_v)

  @pl.loop(0, EPW // NL)
  def _(i):
    si = src_v[pl.ds(i * NL, NL)]
    di = dst_v[pl.ds(i * NL, NL)]
    val = plsc.load_gather(tab_v, [si])
    plsc.addupdate_scatter(acc_v, [di], val)

  pltpu.sync_copy(acc_v, out_hbm.at[wid])



_RB = 1024
_GRID = N_PAD // _RB


def _tc_scale_body(deg_ref, x_ref, w_ref, h1p_ref, dinv_ref):
  deg = jnp.sum(deg_ref[...], axis=0) + 1.0
  dinv = lax.rsqrt(deg)
  h = jnp.dot(x_ref[...], w_ref[...], preferred_element_type=jnp.float32)
  h1p_ref[...] = h * dinv[:, None]
  dinv_ref[...] = dinv[:, None]


def _tc_scale(deg_parts, x, w):
  return pl.pallas_call(
      _tc_scale_body,
      grid=(_GRID,),
      in_specs=[
          pl.BlockSpec((NW, _RB), lambda i: (0, i)),
          pl.BlockSpec((_RB, DIM), lambda i: (i, 0)),
          pl.BlockSpec((DIM, DIM), lambda i: (0, 0)),
      ],
      out_specs=[
          pl.BlockSpec((_RB, DIM), lambda i: (i, 0)),
          pl.BlockSpec((_RB, 1), lambda i: (i, 0)),
      ],
      out_shape=[
          jax.ShapeDtypeStruct((N_PAD, DIM), jnp.float32),
          jax.ShapeDtypeStruct((N_PAD, 1), jnp.float32),
      ],
  )(deg_parts, x, w)


def _tc_layer1_body(p_ref, h1p_ref, dinv_ref, b1_ref, w2_ref, h2s_ref):
  dinv = dinv_ref[...]
  agg = p_ref[0] + p_ref[1] + h1p_ref[...]
  z1 = jnp.maximum(dinv * agg + b1_ref[...], 0.0)
  h2 = jnp.dot(z1, w2_ref[...], preferred_element_type=jnp.float32)
  h2s_ref[...] = dinv * h2


def _tc_layer1(parts, h1p, dinv, b1, w2):
  return pl.pallas_call(
      _tc_layer1_body,
      grid=(_GRID,),
      in_specs=[
          pl.BlockSpec((NC, _RB, DIM), lambda i: (0, i, 0)),
          pl.BlockSpec((_RB, DIM), lambda i: (i, 0)),
          pl.BlockSpec((_RB, 1), lambda i: (i, 0)),
          pl.BlockSpec((1, DIM), lambda i: (0, 0)),
          pl.BlockSpec((DIM, 1), lambda i: (0, 0)),
      ],
      out_specs=pl.BlockSpec((_RB, 1), lambda i: (i, 0)),
      out_shape=jax.ShapeDtypeStruct((N_PAD, 1), jnp.float32),
  )(parts, h1p, dinv, b1, w2)


def _tc_final_body(q_ref, h2s_ref, dinv_ref, b2_ref, o_ref):
  qsum = jnp.sum(q_ref[...], axis=0)[:, None]
  o_ref[...] = dinv_ref[...] * (qsum + h2s_ref[...]) + b2_ref[...]


def _tc_final(qparts, h2s, dinv, b2):
  return pl.pallas_call(
      _tc_final_body,
      grid=(_GRID,),
      in_specs=[
          pl.BlockSpec((NW, _RB), lambda i: (0, i)),
          pl.BlockSpec((_RB, 1), lambda i: (i, 0)),
          pl.BlockSpec((_RB, 1), lambda i: (i, 0)),
          pl.BlockSpec((1, 1), lambda i: (0, 0)),
      ],
      out_specs=pl.BlockSpec((_RB, 1), lambda i: (i, 0)),
      out_shape=jax.ShapeDtypeStruct((N_PAD, 1), jnp.float32),
  )(qparts, h2s, dinv, b2)


@jax.jit
def kernel(x, edge_index, W1, b1, W2, b2):
  src = edge_index[0].astype(jnp.int32)
  dst = edge_index[1].astype(jnp.int32)
  x = jnp.pad(x, ((0, N_PAD - N_NODES), (0, 0)))

  zeros128 = jnp.zeros((N_PAD, DIM), jnp.float32)

  deg_parts = _sc_degree(dst)
  h1p, dinv = _tc_scale(deg_parts, x, W1)

  parts = _sc_agg128(src, dst, h1p, zeros128)

  h2s = _tc_layer1(parts, h1p, dinv, b1.reshape(1, DIM), W2)

  qparts = _sc_agg_scalar(src, dst, h2s.reshape(N_PAD))

  out = _tc_final(qparts, h2s, dinv, b2.reshape(1, 1))
  return out[:N_NODES]

# --- scband reference (transcript-rebuilt; emitter-appended) ---
"""Pipeline reference for scband-gcn-16295105921229 (READ-ONLY COPY).

The authoritative reference and input builder live on the scoring server;
editing this copy changes nothing except your own understanding.
"""

import jax, jax.numpy as jnp
import numpy as np

N_NODES = 10000
N_EDGES = 320000
IN_DIM = 128
HIDDEN_DIM = 128


def setup_inputs(seed: int = 0) -> dict:
    key = jax.random.key(seed)
    k1, k2, k3, k4, k5, k6 = jax.random.split(key, 6)
    x = jax.random.normal(k1, (N_NODES, IN_DIM), dtype=jnp.float32)
    edge_index = jax.random.randint(k2, (2, N_EDGES), 0, N_NODES, dtype=jnp.int64)
    # Glorot-style init like PyG GCNConv linear weights
    s1 = (6.0 / (IN_DIM + HIDDEN_DIM)) ** 0.5
    W1 = jax.random.uniform(k3, (IN_DIM, HIDDEN_DIM), dtype=jnp.float32, minval=-s1, maxval=s1)
    b1 = jnp.zeros((HIDDEN_DIM,), dtype=jnp.float32)
    s2 = (6.0 / (HIDDEN_DIM + 1)) ** 0.5
    W2 = jax.random.uniform(k4, (HIDDEN_DIM, 1), dtype=jnp.float32, minval=-s2, maxval=s2)
    b2 = jnp.zeros((1,), dtype=jnp.float32)
    return {"x": x, "edge_index": edge_index, "W1": W1, "b1": b1, "W2": W2, "b2": b2}


def _gcn_conv(x, src, dst, W, b, n_nodes):
    # PyG GCNConv: add self-loops, symmetric normalization, linear, scatter-add aggregate, bias
    loop = jnp.arange(n_nodes, dtype=src.dtype)
    src_full = jnp.concatenate([src, loop])
    dst_full = jnp.concatenate([dst, loop])
    deg = jnp.zeros((n_nodes,), dtype=x.dtype).at[dst_full].add(1.0)
    deg_inv_sqrt = jnp.where(deg > 0, deg ** -0.5, 0.0)
    norm = deg_inv_sqrt[src_full] * deg_inv_sqrt[dst_full]
    h = x @ W
    msg = h[src_full] * norm[:, None]
    out = jnp.zeros((n_nodes, W.shape[1]), dtype=x.dtype).at[dst_full].add(msg)
    return out + b


def reference(x, edge_index, W1, b1, W2, b2):
    n_nodes = x.shape[0]
    src = edge_index[0]
    dst = edge_index[1]
    h = _gcn_conv(x, src, dst, W1, b1, n_nodes)
    h = jax.nn.relu(h)
    # dropout p=0.0 / eval mode -> identity
    out = _gcn_conv(h, src, dst, W2, b2, n_nodes)
    return out

if __name__ == "__main__":
    import jax
    _d = setup_inputs()
    print(jax.jit(kernel)(*tuple(_d.values())))

</pallas_src>

<mosaic_0001>
#map = affine_map<(d0, d1) -> (0)>
#map1 = affine_map<(d0, d1) -> (0, 0)>
#map2 = affine_map<(d0, d1) -> (0, 0, 0)>
module attributes {stable_mosaic.version = 14 : i64} {
  func.func @_sc_agg128(%arg0: i32, %arg1: i32, %arg2: memref<320000xi32, #tpu.memory_space<hbm>>, %arg3: memref<320000xi32, #tpu.memory_space<hbm>>, %arg4: memref<10240x128xf32, #tpu.memory_space<hbm>>, %arg5: memref<10240x128xf32, #tpu.memory_space<hbm>>, %arg6: memref<2x10240x128xf32, #tpu.memory_space<hbm>>, %arg7: memref<80xi32, #tpu.memory_space<vmem>>, %arg8: memref<80xi32, #tpu.memory_space<vmem>>, %arg9: memref<80xi32, #tpu.memory_space<vmem>>, %arg10: memref<80xi32, #tpu.memory_space<vmem>>, %arg11: memref<80xi32, #tpu.memory_space<vmem>>, %arg12: memref<80xi32, #tpu.memory_space<vmem>>, %arg13: memref<80xi32, #tpu.memory_space<vmem>>, %arg14: memref<80xi32, #tpu.memory_space<vmem>>, %arg15: memref<80x128xf32, #tpu.memory_space<vmem>>, %arg16: memref<80x128xf32, #tpu.memory_space<vmem>>, %arg17: memref<80x128xf32, #tpu.memory_space<vmem>>, %arg18: memref<80x128xf32, #tpu.memory_space<vmem>>, %arg19: memref<10240x128xf32, #tpu.memory_space<vmem_shared>>, %arg20: memref<!tpu.dma_semaphore, #tpu.memory_space<semaphore_mem>>, %arg21: memref<!tpu.dma_semaphore, #tpu.memory_space<semaphore_mem>>, %arg22: memref<!tpu.dma_semaphore, #tpu.memory_space<semaphore_mem>>) attributes {dimension_semantics = [#tpu.dimension_semantics<core_parallel>, #tpu.dimension_semantics<subcore_parallel>], iteration_bounds = array<i64: 2, 16>, scalar_prefetch = 0 : i64, scratch_operands = 16 : i64, tpu.core_type = #tpu.core_type<sc_vector_subcore>, window_params = [{transform_indices = #map}, {transform_indices = #map}, {transform_indices = #map1}, {transform_indices = #map1}, {transform_indices = #map2}]} {
    %mul3A = arith.constant 16 : i32
    %mul3A_0 = arith.muli %arg0, %mul3A : i32
    %add3A = arith.addi %mul3A_0, %arg1 : i32
    %mul3A_1 = arith.constant 640 : i32
    %mul3A_2 = arith.muli %arg1, %mul3A_1 : i32
    "tpu.region"() ({
      %run_scoped3A = tpu.sem_alloc : memref<!tpu.dma_semaphore, #tpu.memory_space<semaphore_mem>>
      %dma_start3A_34 = arith.constant 0 : i32
      %dma_start3A_35 = tpu.memref_slice %arg19[%mul3A_2, %dma_start3A_34] : memref<10240x128xf32, #tpu.memory_space<vmem_shared>> -> memref<640x128xf32, #tpu.memory_space<vmem_shared>>
      %dma_start3A_36 = arith.constant 0 : i32
      %dma_start3A_37 = tpu.memref_slice %arg5[%mul3A_2, %dma_start3A_36] : memref<10240x128xf32, #tpu.memory_space<hbm>> -> memref<640x128xf32, #tpu.memory_space<hbm>>
      tpu.enqueue_dma source(%dma_start3A_37 : memref<640x128xf32, #tpu.memory_space<hbm>>) target(%dma_start3A_35 : memref<640x128xf32, #tpu.memory_space<vmem_shared>>) target_semaphore(%run_scoped3A : memref<!tpu.dma_semaphore, #tpu.memory_space<semaphore_mem>>)
      %dma_wait3A_38 = arith.constant 0 : i32
      %dma_wait3A_39 = tpu.memref_slice %arg19[%mul3A_2, %dma_wait3A_38] : memref<10240x128xf32, #tpu.memory_space<vmem_shared>> -> memref<640x128xf32, #tpu.memory_space<vmem_shared>>
      %dma_wait3A_40 = arith.constant 0 : i32
      %dma_wait3A_41 = tpu.memref_slice %arg5[%mul3A_2, %dma_wait3A_40] : memref<10240x128xf32, #tpu.memory_space<hbm>> -> memref<640x128xf32, #tpu.memory_space<hbm>>
      tpu.wait_dma2 semaphore(%run_scoped3A : memref<!tpu.dma_semaphore, #tpu.memory_space<semaphore_mem>>) src(%dma_wait3A_41 : memref<640x128xf32, #tpu.memory_space<hbm>>) dst(%dma_wait3A_39 : memref<640x128xf32, #tpu.memory_space<vmem_shared>>)
      tpu.yield
    }) : () -> ()
    %barrier3A = arith.constant 0 : index
    tpu.barrier barrier_id(%barrier3A)
    %mul3A_3 = arith.constant 10000 : i32
    %mul3A_4 = arith.muli %add3A, %mul3A_3 : i32
    %scan3A = arith.constant 0 : i32
    %scan3A_5 = arith.constant 31 : i32
    %scan3A_6 = arith.addi %scan3A, %scan3A_5 : i32
    %scan3A_7 = arith.constant 1 : i32
    scf.for %scan3A_34 = %scan3A to %scan3A_6 step %scan3A_7  : i32 {
      %mul3A_35 = arith.constant 1 : i32
      %mul3A_36 = arith.muli %scan3A_34, %mul3A_35 : i32
      %add3A_37 = arith.constant 0 : i32
      %add3A_38 = arith.addi %add3A_37, %mul3A_36 : i32
      %mul3A_39 = arith.constant 320 : i32
      %mul3A_40 = arith.muli %add3A_38, %mul3A_39 : i32
      %add3A_41 = arith.addi %mul3A_4, %mul3A_40 : i32
      %add3A_42 = arith.constant 0 : i32
      %add3A_43 = arith.addi %add3A_41, %add3A_42 : i32
      %dma_start3A_44 = tpu.memref_slice %arg2[%add3A_43] : memref<320000xi32, #tpu.memory_space<hbm>> -> memref<80xi32, #tpu.memory_space<hbm>>
      %dma_start3A_45 = tpu.memref_slice %arg2[%add3A_43] : memref<320000xi32, #tpu.memory_space<hbm>> -> memref<80xi32, #tpu.memory_space<hbm>>
      tpu.enqueue_dma source(%dma_start3A_45 : memref<80xi32, #tpu.memory_space<hbm>>) target(%arg7 : memref<80xi32, #tpu.memory_space<vmem>>) target_semaphore(%arg20 : memref<!tpu.dma_semaphore, #tpu.memory_space<semaphore_mem>>)
      %add3A_46 = arith.constant 0 : i32
      %add3A_47 = arith.addi %add3A_41, %add3A_46 : i32
      %dma_start3A_48 = tpu.memref_slice %arg3[%add3A_47] : memref<320000xi32, #tpu.memory_space<hbm>> -> memref<80xi32, #tpu.memory_space<hbm>>
      %dma_start3A_49 = tpu.memref_slice %arg3[%add3A_47] : memref<320000xi32, #tpu.memory_space<hbm>> -> memref<80xi32, #tpu.memory_space<hbm>>
      tpu.enqueue_dma source(%dma_start3A_49 : memref<80xi32, #tpu.memory_space<hbm>>) target(%arg11 : memref<80xi32, #tpu.memory_space<vmem>>) target_semaphore(%arg20 : memref<!tpu.dma_semaphore, #tpu.memory_space<semaphore_mem>>)
      %add3A_50 = arith.constant 80 : i32
      %add3A_51 = arith.addi %add3A_41, %add3A_50 : i32
      %dma_start3A_52 = tpu.memref_slice %arg2[%add3A_51] : memref<320000xi32, #tpu.memory_space<hbm>> -> memref<80xi32, #tpu.memory_space<hbm>>
      %dma_start3A_53 = tpu.memref_slice %arg2[%add3A_51] : memref<320000xi32, #tpu.memory_space<hbm>> -> memref<80xi32, #tpu.memory_space<hbm>>
      tpu.enqueue_dma source(%dma_start3A_53 : memref<80xi32, #tpu.memory_space<hbm>>) target(%arg8 : memref<80xi32, #tpu.memory_space<vmem>>) target_semaphore(%arg20 : memref<!tpu.dma_semaphore, #tpu.memory_space<semaphore_mem>>)
      %add3A_54 = arith.constant 80 : i32
      %add3A_55 = arith.addi %add3A_41, %add3A_54 : i32
      %dma_start3A_56 = tpu.memref_slice %arg3[%add3A_55] : memref<320000xi32, #tpu.memory_space<hbm>> -> memref<80xi32, #tpu.memory_space<hbm>>
      %dma_start3A_57 = tpu.memref_slice %arg3[%add3A_55] : memref<320000xi32, #tpu.memory_space<hbm>> -> memref<80xi32, #tpu.memory_space<hbm>>
      tpu.enqueue_dma source(%dma_start3A_57 : memref<80xi32, #tpu.memory_space<hbm>>) target(%arg12 : memref<80xi32, #tpu.memory_space<vmem>>) target_semaphore(%arg20 : memref<!tpu.dma_semaphore, #tpu.memory_space<semaphore_mem>>)
      %add3A_58 = arith.constant 160 : i32
      %add3A_59 = arith.addi %add3A_41, %add3A_58 : i32
      %dma_start3A_60 = tpu.memref_slice %arg2[%add3A_59] : memref<320000xi32, #tpu.memory_space<hbm>> -> memref<80xi32, #tpu.memory_space<hbm>>
      %dma_start3A_61 = tpu.memref_slice %arg2[%add3A_59] : memref<320000xi32, #tpu.memory_space<hbm>> -> memref<80xi32, #tpu.memory_space<hbm>>
      tpu.enqueue_dma source(%dma_start3A_61 : memref<80xi32, #tpu.memory_space<hbm>>) target(%arg9 : memref<80xi32, #tpu.memory_space<vmem>>) target_semaphore(%arg20 : memref<!tpu.dma_semaphore, #tpu.memory_space<semaphore_mem>>)
      %add3A_62 = arith.constant 160 : i32
      %add3A_63 = arith.addi %add3A_41, %add3A_62 : i32
      %dma_start3A_64 = tpu.memref_slice %arg3[%add3A_63] : memref<320000xi32, #tpu.memory_space<hbm>> -> memref<80xi32, #tpu.memory_space<hbm>>
      %dma_start3A_65 = tpu.memref_slice %arg3[%add3A_63] : memref<320000xi32, #tpu.memory_space<hbm>> -> memref<80xi32, #tpu.memory_space<hbm>>
      tpu.enqueue_dma source(%dma_start3A_65 : memref<80xi32, #tpu.memory_space<hbm>>) target(%arg13 : memref<80xi32, #tpu.memory_space<vmem>>) target_semaphore(%arg20 : memref<!tpu.dma_semaphore, #tpu.memory_space<semaphore_mem>>)
      %add3A_66 = arith.constant 240 : i32
      %add3A_67 = arith.addi %add3A_41, %add3A_66 : i32
      %dma_start3A_68 = tpu.memref_slice %arg2[%add3A_67] : memref<320000xi32, #tpu.memory_space<hbm>> -> memref<80xi32, #tpu.memory_space<hbm>>
      %dma_start3A_69 = tpu.memref_slice %arg2[%add3A_67] : memref<320000xi32, #tpu.memory_space<hbm>> -> memref<80xi32, #tpu.memory_space<hbm>>
      tpu.enqueue_dma source(%dma_start3A_69 : memref<80xi32, #tpu.memory_space<hbm>>) target(%arg10 : memref<80xi32, #tpu.memory_space<vmem>>) target_semaphore(%arg20 : memref<!tpu.dma_semaphore, #tpu.memory_space<semaphore_mem>>)
      %add3A_70 = arith.constant 240 : i32
      %add3A_71 = arith.addi %add3A_41, %add3A_70 : i32
      %dma_start3A_72 = tpu.memref_slice %arg3[%add3A_71] : memref<320000xi32, #tpu.memory_space<hbm>> -> memref<80xi32, #tpu.memory_space<hbm>>
      %dma_start3A_73 = tpu.memref_slice %arg3[%add3A_71] : memref<320000xi32, #tpu.memory_space<hbm>> -> memref<80xi32, #tpu.memory_space<hbm>>
      tpu.enqueue_dma source(%dma_start3A_73 : memref<80xi32, #tpu.memory_space<hbm>>) target(%arg14 : memref<80xi32, #tpu.memory_space<vmem>>) target_semaphore(%arg20 : memref<!tpu.dma_semaphore, #tpu.memory_space<semaphore_mem>>)
      %dma_wait3A_74 = tpu.memref_slice %arg2[%add3A_43] : memref<320000xi32, #tpu.memory_space<hbm>> -> memref<80xi32, #tpu.memory_space<hbm>>
      %dma_wait3A_75 = tpu.memref_slice %arg2[%add3A_43] : memref<320000xi32, #tpu.memory_space<hbm>> -> memref<80xi32, #tpu.memory_space<hbm>>
      tpu.wait_dma2 semaphore(%arg20 : memref<!tpu.dma_semaphore, #tpu.memory_space<semaphore_mem>>) src(%dma_wait3A_75 : memref<80xi32, #tpu.memory_space<hbm>>) dst(%arg7 : memref<80xi32, #tpu.memory_space<vmem>>)
      %dma_wait3A_76 = tpu.memref_slice %arg3[%add3A_47] : memref<320000xi32, #tpu.memory_space<hbm>> -> memref<80xi32, #tpu.memory_space<hbm>>
      %dma_wait3A_77 = tpu.memref_slice %arg3[%add3A_47] : memref<320000xi32, #tpu.memory_space<hbm>> -> memref<80xi32, #tpu.memory_space<hbm>>
      tpu.wait_dma2 semaphore(%arg20 : memref<!tpu.dma_semaphore, #tpu.memory_space<semaphore_mem>>) src(%dma_wait3A_77 : memref<80xi32, #tpu.memory_space<hbm>>) dst(%arg11 : memref<80xi32, #tpu.memory_space<vmem>>)
      %dma_start3A_78 = arith.constant 0 : i32
      %dma_start3A_79 = arith.constant 0 : i32
      %dma_start3A_80 = tpu.memref_slice %arg4[%dma_start3A_78, %dma_start3A_79] : memref<10240x128xf32, #tpu.memory_space<hbm>> -> memref<10240x128xf32, #tpu.memory_space<hbm>>
      tpu.enqueue_indirect_dma source(%dma_start3A_80 : memref<10240x128xf32, #tpu.memory_space<hbm>>) target(%arg15 : memref<80x128xf32, #tpu.memory_space<vmem>>) offsets(%arg7 : memref<80xi32, #tpu.memory_space<vmem>>) semaphore(%arg21 : memref<!tpu.dma_semaphore, #tpu.memory_space<semaphore_mem>>)
      %dma_wait3A_81 = tpu.memref_slice %arg2[%add3A_51] : memref<320000xi32, #tpu.memory_space<hbm>> -> memref<80xi32, #tpu.memory_space<hbm>>
      %dma_wait3A_82 = tpu.memref_slice %arg2[%add3A_51] : memref<320000xi32, #tpu.memory_space<hbm>> -> memref<80xi32, #tpu.memory_space<hbm>>
      tpu.wait_dma2 semaphore(%arg20 : memref<!tpu.dma_semaphore, #tpu.memory_space<semaphore_mem>>) src(%dma_wait3A_82 : memref<80xi32, #tpu.memory_space<hbm>>) dst(%arg8 : memref<80xi32, #tpu.memory_space<vmem>>)
      %dma_wait3A_83 = tpu.memref_slice %arg3[%add3A_55] : memref<320000xi32, #tpu.memory_space<hbm>> -> memref<80xi32, #tpu.memory_space<hbm>>
      %dma_wait3A_84 = tpu.memref_slice %arg3[%add3A_55] : memref<320000xi32, #tpu.memory_space<hbm>> -> memref<80xi32, #tpu.memory_space<hbm>>
      tpu.wait_dma2 semaphore(%arg20 : memref<!tpu.dma_semaphore, #tpu.memory_space<semaphore_mem>>) src(%dma_wait3A_84 : memref<80xi32, #tpu.memory_space<hbm>>) dst(%arg12 : memref<80xi32, #tpu.memory_space<vmem>>)
      %dma_start3A_85 = arith.constant 0 : i32
      %dma_start3A_86 = arith.constant 0 : i32
      %dma_start3A_87 = tpu.memref_slice %arg4[%dma_start3A_85, %dma_start3A_86] : memref<10240x128xf32, #tpu.memory_space<hbm>> -> memref<10240x128xf32, #tpu.memory_space<hbm>>
      tpu.enqueue_indirect_dma source(%dma_start3A_87 : memref<10240x128xf32, #tpu.memory_space<hbm>>) target(%arg16 : memref<80x128xf32, #tpu.memory_space<vmem>>) offsets(%arg8 : memref<80xi32, #tpu.memory_space<vmem>>) semaphore(%arg21 : memref<!tpu.dma_semaphore, #tpu.memory_space<semaphore_mem>>)
      %dma_wait3A_88 = tpu.memref_slice %arg2[%add3A_59] : memref<320000xi32, #tpu.memory_space<hbm>> -> memref<80xi32, #tpu.memory_space<hbm>>
      %dma_wait3A_89 = tpu.memref_slice %arg2[%add3A_59] : memref<320000xi32, #tpu.memory_space<hbm>> -> memref<80xi32, #tpu.memory_space<hbm>>
      tpu.wait_dma2 semaphore(%arg20 : memref<!tpu.dma_semaphore, #tpu.memory_space<semaphore_mem>>) src(%dma_wait3A_89 : memref<80xi32, #tpu.memory_space<hbm>>) dst(%arg9 : memref<80xi32, #tpu.memory_space<vmem>>)
      %dma_wait3A_90 = tpu.memref_slice %arg3[%add3A_63] : memref<320000xi32, #tpu.memory_space<hbm>> -> memref<80xi32, #tpu.memory_space<hbm>>
      %dma_wait3A_91 = tpu.memref_slice %arg3[%add3A_63] : memref<320000xi32, #tpu.memory_space<hbm>> -> memref<80xi32, #tpu.memory_space<hbm>>
      tpu.wait_dma2 semaphore(%arg20 : memref<!tpu.dma_semaphore, #tpu.memory_space<semaphore_mem>>) src(%dma_wait3A_91 : memref<80xi32, #tpu.memory_space<hbm>>) dst(%arg13 : memref<80xi32, #tpu.memory_space<vmem>>)
      %dma_start3A_92 = arith.constant 0 : i32
      %dma_start3A_93 = arith.constant 0 : i32
      %dma_start3A_94 = tpu.memref_slice %arg4[%dma_start3A_92, %dma_start3A_93] : memref<10240x128xf32, #tpu.memory_space<hbm>> -> memref<10240x128xf32, #tpu.memory_space<hbm>>
      tpu.enqueue_indirect_dma source(%dma_start3A_94 : memref<10240x128xf32, #tpu.memory_space<hbm>>) target(%arg17 : memref<80x128xf32, #tpu.memory_space<vmem>>) offsets(%arg9 : memref<80xi32, #tpu.memory_space<vmem>>) semaphore(%arg21 : memref<!tpu.dma_semaphore, #tpu.memory_space<semaphore_mem>>)
      %dma_wait3A_95 = tpu.memref_slice %arg2[%add3A_67] : memref<320000xi32, #tpu.memory_space<hbm>> -> memref<80xi32, #tpu.memory_space<hbm>>
      %dma_wait3A_96 = tpu.memref_slice %arg2[%add3A_67] : memref<320000xi32, #tpu.memory_space<hbm>> -> memref<80xi32, #tpu.memory_space<hbm>>
      tpu.wait_dma2 semaphore(%arg20 : memref<!tpu.dma_semaphore, #tpu.memory_space<semaphore_mem>>) src(%dma_wait3A_96 : memref<80xi32, #tpu.memory_space<hbm>>) dst(%arg10 : memref<80xi32, #tpu.memory_space<vmem>>)
      %dma_wait3A_97 = tpu.memref_slice %arg3[%add3A_71] : memref<320000xi32, #tpu.memory_space<hbm>> -> memref<80xi32, #tpu.memory_space<hbm>>
      %dma_wait3A_98 = tpu.memref_slice %arg3[%add3A_71] : memref<320000xi32, #tpu.memory_space<hbm>> -> memref<80xi32, #tpu.memory_space<hbm>>
      tpu.wait_dma2 semaphore(%arg20 : memref<!tpu.dma_semaphore, #tpu.memory_space<semaphore_mem>>) src(%dma_wait3A_98 : memref<80xi32, #tpu.memory_space<hbm>>) dst(%arg14 : memref<80xi32, #tpu.memory_space<vmem>>)
      %dma_start3A_99 = arith.constant 0 : i32
      %dma_start3A_100 = arith.constant 0 : i32
      %dma_start3A_101 = tpu.memref_slice %arg4[%dma_start3A_99, %dma_start3A_100] : memref<10240x128xf32, #tpu.memory_space<hbm>> -> memref<10240x128xf32, #tpu.memory_space<hbm>>
      tpu.enqueue_indirect_dma source(%dma_start3A_101 : memref<10240x128xf32, #tpu.memory_space<hbm>>) target(%arg18 : memref<80x128xf32, #tpu.memory_space<vmem>>) offsets(%arg10 : memref<80xi32, #tpu.memory_space<vmem>>) semaphore(%arg21 : memref<!tpu.dma_semaphore, #tpu.memory_space<semaphore_mem>>)
      %dma_wait3A_102 = arith.constant 0 : i32
      %dma_wait3A_103 = arith.constant 0 : i32
      %dma_wait3A_104 = tpu.memref_slice %arg4[%dma_wait3A_102, %dma_wait3A_103] : memref<10240x128xf32, #tpu.memory_space<hbm>> -> memref<10240x128xf32, #tpu.memory_space<hbm>>
      tpu.wait_indirect_dma semaphore(%arg21 : memref<!tpu.dma_semaphore, #tpu.memory_space<semaphore_mem>>) src(%dma_wait3A_104 : memref<10240x128xf32, #tpu.memory_space<hbm>>) dst(%arg15 : memref<80x128xf32, #tpu.memory_space<vmem>>)
      %dma_start3A_105 = arith.constant 0 : i32
      %dma_start3A_106 = arith.constant 0 : i32
      %dma_start3A_107 = tpu.memref_slice %arg19[%dma_start3A_105, %dma_start3A_106] : memref<10240x128xf32, #tpu.memory_space<vmem_shared>> -> memref<10240x128xf32, #tpu.memory_space<vmem_shared>>
      tpu.enqueue_indirect_dma source(%arg15 : memref<80x128xf32, #tpu.memory_space<vmem>>) target(%dma_start3A_107 : memref<10240x128xf32, #tpu.memory_space<vmem_shared>>) offsets(%arg11 : memref<80xi32, #tpu.memory_space<vmem>>) semaphore(%arg22 : memref<!tpu.dma_semaphore, #tpu.memory_space<semaphore_mem>>) {add = true}
      %dma_wait3A_108 = arith.constant 0 : i32
      %dma_wait3A_109 = arith.constant 0 : i32
      %dma_wait3A_110 = tpu.memref_slice %arg4[%dma_wait3A_108, %dma_wait3A_109] : memref<10240x128xf32, #tpu.memory_space<hbm>> -> memref<10240x128xf32, #tpu.memory_space<hbm>>
      tpu.wait_indirect_dma semaphore(%arg21 : memref<!tpu.dma_semaphore, #tpu.memory_space<semaphore_mem>>) src(%dma_wait3A_110 : memref<10240x128xf32, #tpu.memory_space<hbm>>) dst(%arg16 : memref<80x128xf32, #tpu.memory_space<vmem>>)
      %dma_start3A_111 = arith.constant 0 : i32
      %dma_start3A_112 = arith.constant 0 : i32
      %dma_start3A_113 = tpu.memref_slice %arg19[%dma_start3A_111, %dma_start3A_112] : memref<10240x128xf32, #tpu.memory_space<vmem_shared>> -> memref<10240x128xf32, #tpu.memory_space<vmem_shared>>
      tpu.enqueue_indirect_dma source(%arg16 : memref<80x128xf32, #tpu.memory_space<vmem>>) target(%dma_start3A_113 : memref<10240x128xf32, #tpu.memory_space<vmem_shared>>) offsets(%arg12 : memref<80xi32, #tpu.memory_space<vmem>>) semaphore(%arg22 : memref<!tpu.dma_semaphore, #tpu.memory_space<semaphore_mem>>) {add = true}
      %dma_wait3A_114 = arith.constant 0 : i32
      %dma_wait3A_115 = arith.constant 0 : i32
      %dma_wait3A_116 = tpu.memref_slice %arg4[%dma_wait3A_114, %dma_wait3A_115] : memref<10240x128xf32, #tpu.memory_space<hbm>> -> memref<10240x128xf32, #tpu.memory_space<hbm>>
      tpu.wait_indirect_dma semaphore(%arg21 : memref<!tpu.dma_semaphore, #tpu.memory_space<semaphore_mem>>) src(%dma_wait3A_116 : memref<10240x128xf32, #tpu.memory_space<hbm>>) dst(%arg17 : memref<80x128xf32, #tpu.memory_space<vmem>>)
      %dma_start3A_117 = arith.constant 0 : i32
      %dma_start3A_118 = arith.constant 0 : i32
      %dma_start3A_119 = tpu.memref_slice %arg19[%dma_start3A_117, %dma_start3A_118] : memref<10240x128xf32, #tpu.memory_space<vmem_shared>> -> memref<10240x128xf32, #tpu.memory_space<vmem_shared>>
      tpu.enqueue_indirect_dma source(%arg17 : memref<80x128xf32, #tpu.memory_space<vmem>>) target(%dma_start3A_119 : memref<10240x128xf32, #tpu.memory_space<vmem_shared>>) offsets(%arg13 : memref<80xi32, #tpu.memory_space<vmem>>) semaphore(%arg22 : memref<!tpu.dma_semaphore, #tpu.memory_space<semaphore_mem>>) {add = true}
      %dma_wait3A_120 = arith.constant 0 : i32
      %dma_wait3A_121 = arith.constant 0 : i32
      %dma_wait3A_122 = tpu.memref_slice %arg4[%dma_wait3A_120, %dma_wait3A_121] : memref<10240x128xf32, #tpu.memory_space<hbm>> -> memref<10240x128xf32, #tpu.memory_space<hbm>>
      tpu.wait_indirect_dma semaphore(%arg21 : memref<!tpu.dma_semaphore, #tpu.memory_space<semaphore_mem>>) src(%dma_wait3A_122 : memref<10240x128xf32, #tpu.memory_space<hbm>>) dst(%arg18 : memref<80x128xf32, #tpu.memory_space<vmem>>)
      %dma_start3A_123 = arith.constant 0 : i32
      %dma_start3A_124 = arith.constant 0 : i32
      %dma_start3A_125 = tpu.memref_slice %arg19[%dma_start3A_123, %dma_start3A_124] : memref<10240x128xf32, #tpu.memory_space<vmem_shared>> -> memref<10240x128xf32, #tpu.memory_space<vmem_shared>>
      tpu.enqueue_indirect_dma source(%arg18 : memref<80x128xf32, #tpu.memory_space<vmem>>) target(%dma_start3A_125 : memref<10240x128xf32, #tpu.memory_space<vmem_shared>>) offsets(%arg14 : memref<80xi32, #tpu.memory_space<vmem>>) semaphore(%arg22 : memref<!tpu.dma_semaphore, #tpu.memory_space<semaphore_mem>>) {add = true}
      %dma_wait3A_126 = arith.constant 0 : i32
      %dma_wait3A_127 = arith.constant 0 : i32
      %dma_wait3A_128 = tpu.memref_slice %arg19[%dma_wait3A_126, %dma_wait3A_127] : memref<10240x128xf32, #tpu.memory_space<vmem_shared>> -> memref<10240x128xf32, #tpu.memory_space<vmem_shared>>
      tpu.wait_indirect_dma semaphore(%arg22 : memref<!tpu.dma_semaphore, #tpu.memory_space<semaphore_mem>>) src(%arg15 : memref<80x128xf32, #tpu.memory_space<vmem>>) dst(%dma_wait3A_128 : memref<10240x128xf32, #tpu.memory_space<vmem_shared>>)
      %dma_wait3A_129 = arith.constant 0 : i32
      %dma_wait3A_130 = arith.constant 0 : i32
      %dma_wait3A_131 = tpu.memref_slice %arg19[%dma_wait3A_129, %dma_wait3A_130] : memref<10240x128xf32, #tpu.memory_space<vmem_shared>> -> memref<10240x128xf32, #tpu.memory_space<vmem_shared>>
      tpu.wait_indirect_dma semaphore(%arg22 : memref<!tpu.dma_semaphore, #tpu.memory_space<semaphore_mem>>) src(%arg16 : memref<80x128xf32, #tpu.memory_space<vmem>>) dst(%dma_wait3A_131 : memref<10240x128xf32, #tpu.memory_space<vmem_shared>>)
      %dma_wait3A_132 = arith.constant 0 : i32
      %dma_wait3A_133 = arith.constant 0 : i32
      %dma_wait3A_134 = tpu.memref_slice %arg19[%dma_wait3A_132, %dma_wait3A_133] : memref<10240x128xf32, #tpu.memory_space<vmem_shared>> -> memref<10240x128xf32, #tpu.memory_space<vmem_shared>>
      tpu.wait_indirect_dma semaphore(%arg22 : memref<!tpu.dma_semaphore, #tpu.memory_space<semaphore_mem>>) src(%arg17 : memref<80x128xf32, #tpu.memory_space<vmem>>) dst(%dma_wait3A_134 : memref<10240x128xf32, #tpu.memory_space<vmem_shared>>)
      %dma_wait3A_135 = arith.constant 0 : i32
      %dma_wait3A_136 = arith.constant 0 : i32
      %dma_wait3A_137 = tpu.memref_slice %arg19[%dma_wait3A_135, %dma_wait3A_136] : memref<10240x128xf32, #tpu.memory_space<vmem_shared>> -> memref<10240x128xf32, #tpu.memory_space<vmem_shared>>
      tpu.wait_indirect_dma semaphore(%arg22 : memref<!tpu.dma_semaphore, #tpu.memory_space<semaphore_mem>>) src(%arg18 : memref<80x128xf32, #tpu.memory_space<vmem>>) dst(%dma_wait3A_137 : memref<10240x128xf32, #tpu.memory_space<vmem_shared>>)
    }
    %scan3A_8 = arith.constant 31 : i32
    %add3A_9 = arith.constant 9920 : i32
    %add3A_10 = arith.addi %mul3A_4, %add3A_9 : i32
    %add3A_11 = arith.constant 0 : i32
    %add3A_12 = arith.addi %add3A_10, %add3A_11 : i32
    %dma_start3A = tpu.memref_slice %arg2[%add3A_12] : memref<320000xi32, #tpu.memory_space<hbm>> -> memref<80xi32, #tpu.memory_space<hbm>>
    %dma_start3A_13 = tpu.memref_slice %arg2[%add3A_12] : memref<320000xi32, #tpu.memory_space<hbm>> -> memref<80xi32, #tpu.memory_space<hbm>>
    tpu.enqueue_dma source(%dma_start3A_13 : memref<80xi32, #tpu.memory_space<hbm>>) target(%arg7 : memref<80xi32, #tpu.memory_space<vmem>>) target_semaphore(%arg20 : memref<!tpu.dma_semaphore, #tpu.memory_space<semaphore_mem>>)
    %add3A_14 = arith.constant 0 : i32
    %add3A_15 = arith.addi %add3A_10, %add3A_14 : i32
    %dma_start3A_16 = tpu.memref_slice %arg3[%add3A_15] : memref<320000xi32, #tpu.memory_space<hbm>> -> memref<80xi32, #tpu.memory_space<hbm>>
    %dma_start3A_17 = tpu.memref_slice %arg3[%add3A_15] : memref<320000xi32, #tpu.memory_space<hbm>> -> memref<80xi32, #tpu.memory_space<hbm>>
    tpu.enqueue_dma source(%dma_start3A_17 : memref<80xi32, #tpu.memory_space<hbm>>) target(%arg11 : memref<80xi32, #tpu.memory_space<vmem>>) target_semaphore(%arg20 : memref<!tpu.dma_semaphore, #tpu.memory_space<semaphore_mem>>)
    %dma_wait3A = tpu.memref_slice %arg2[%add3A_12] : memref<320000xi32, #tpu.memory_space<hbm>> -> memref<80xi32, #tpu.memory_space<hbm>>
    %dma_wait3A_18 = tpu.memref_slice %arg2[%add3A_12] : memref<320000xi32, #tpu.memory_space<hbm>> -> memref<80xi32, #tpu.memory_space<hbm>>
    tpu.wait_dma2 semaphore(%arg20 : memref<!tpu.dma_semaphore, #tpu.memory_space<semaphore_mem>>) src(%dma_wait3A_18 : memref<80xi32, #tpu.memory_space<hbm>>) dst(%arg7 : memref<80xi32, #tpu.memory_space<vmem>>)
    %dma_wait3A_19 = tpu.memref_slice %arg3[%add3A_15] : memref<320000xi32, #tpu.memory_space<hbm>> -> memref<80xi32, #tpu.memory_space<hbm>>
    %dma_wait3A_20 = tpu.memref_slice %arg3[%add3A_15] : memref<320000xi32, #tpu.memory_space<hbm>> -> memref<80xi32, #tpu.memory_space<hbm>>
    tpu.wait_dma2 semaphore(%arg20 : memref<!tpu.dma_semaphore, #tpu.memory_space<semaphore_mem>>) src(%dma_wait3A_20 : memref<80xi32, #tpu.memory_space<hbm>>) dst(%arg11 : memref<80xi32, #tpu.memory_space<vmem>>)
    %dma_start3A_21 = arith.constant 0 : i32
    %dma_start3A_22 = arith.constant 0 : i32
    %dma_start3A_23 = tpu.memref_slice %arg4[%dma_start3A_21, %dma_start3A_22] : memref<10240x128xf32, #tpu.memory_space<hbm>> -> memref<10240x128xf32, #tpu.memory_space<hbm>>
    tpu.enqueue_indirect_dma source(%dma_start3A_23 : memref<10240x128xf32, #tpu.memory_space<hbm>>) target(%arg15 : memref<80x128xf32, #tpu.memory_space<vmem>>) offsets(%arg7 : memref<80xi32, #tpu.memory_space<vmem>>) semaphore(%arg21 : memref<!tpu.dma_semaphore, #tpu.memory_space<semaphore_mem>>)
    %dma_wait3A_24 = arith.constant 0 : i32
    %dma_wait3A_25 = arith.constant 0 : i32
    %dma_wait3A_26 = tpu.memref_slice %arg4[%dma_wait3A_24, %dma_wait3A_25] : memref<10240x128xf32, #tpu.memory_space<hbm>> -> memref<10240x128xf32, #tpu.memory_space<hbm>>
    tpu.wait_indirect_dma semaphore(%arg21 : memref<!tpu.dma_semaphore, #tpu.memory_space<semaphore_mem>>) src(%dma_wait3A_26 : memref<10240x128xf32, #tpu.memory_space<hbm>>) dst(%arg15 : memref<80x128xf32, #tpu.memory_space<vmem>>)
    %dma_start3A_27 = arith.constant 0 : i32
    %dma_start3A_28 = arith.constant 0 : i32
    %dma_start3A_29 = tpu.memref_slice %arg19[%dma_start3A_27, %dma_start3A_28] : memref<10240x128xf32, #tpu.memory_space<vmem_shared>> -> memref<10240x128xf32, #tpu.memory_space<vmem_shared>>
    tpu.enqueue_indirect_dma source(%arg15 : memref<80x128xf32, #tpu.memory_space<vmem>>) target(%dma_start3A_29 : memref<10240x128xf32, #tpu.memory_space<vmem_shared>>) offsets(%arg11 : memref<80xi32, #tpu.memory_space<vmem>>) semaphore(%arg22 : memref<!tpu.dma_semaphore, #tpu.memory_space<semaphore_mem>>) {add = true}
    %dma_wait3A_30 = arith.constant 0 : i32
    %dma_wait3A_31 = arith.constant 0 : i32
    %dma_wait3A_32 = tpu.memref_slice %arg19[%dma_wait3A_30, %dma_wait3A_31] : memref<10240x128xf32, #tpu.memory_space<vmem_shared>> -> memref<10240x128xf32, #tpu.memory_space<vmem_shared>>
    tpu.wait_indirect_dma semaphore(%arg22 : memref<!tpu.dma_semaphore, #tpu.memory_space<semaphore_mem>>) src(%arg15 : memref<80x128xf32, #tpu.memory_space<vmem>>) dst(%dma_wait3A_32 : memref<10240x128xf32, #tpu.memory_space<vmem_shared>>)
    %barrier3A_33 = arith.constant 0 : index
    tpu.barrier barrier_id(%barrier3A_33)
    "tpu.region"() ({
      %run_scoped3A = tpu.sem_alloc : memref<!tpu.dma_semaphore, #tpu.memory_space<semaphore_mem>>
      %dma_start3A_34 = arith.constant 0 : i32
      %dma_start3A_35 = tpu.memref_slice %arg6[%arg0, %mul3A_2, %dma_start3A_34] : memref<2x10240x128xf32, #tpu.memory_space<hbm>> -> memref<1x640x128xf32, #tpu.memory_space<hbm>>
      %dma_start3A_36 = tpu.memref_squeeze %dma_start3A_35 : memref<1x640x128xf32, #tpu.memory_space<hbm>> -> memref<640x128xf32, #tpu.memory_space<hbm>>
      %dma_start3A_37 = arith.constant 0 : i32
      %dma_start3A_38 = tpu.memref_slice %arg19[%mul3A_2, %dma_start3A_37] : memref<10240x128xf32, #tpu.memory_space<vmem_shared>> -> memref<640x128xf32, #tpu.memory_space<vmem_shared>>
      tpu.enqueue_dma source(%dma_start3A_38 : memref<640x128xf32, #tpu.memory_space<vmem_shared>>) target(%dma_start3A_36 : memref<640x128xf32, #tpu.memory_space<hbm>>) target_semaphore(%run_scoped3A : memref<!tpu.dma_semaphore, #tpu.memory_space<semaphore_mem>>)
      %dma_wait3A_39 = arith.constant 0 : i32
      %dma_wait3A_40 = tpu.memref_slice %arg6[%arg0, %mul3A_2, %dma_wait3A_39] : memref<2x10240x128xf32, #tpu.memory_space<hbm>> -> memref<1x640x128xf32, #tpu.memory_space<hbm>>
      %dma_wait3A_41 = tpu.memref_squeeze %dma_wait3A_40 : memref<1x640x128xf32, #tpu.memory_space<hbm>> -> memref<640x128xf32, #tpu.memory_space<hbm>>
      %dma_wait3A_42 = arith.constant 0 : i32
      %dma_wait3A_43 = tpu.memref_slice %arg19[%mul3A_2, %dma_wait3A_42] : memref<10240x128xf32, #tpu.memory_space<vmem_shared>> -> memref<640x128xf32, #tpu.memory_space<vmem_shared>>
      tpu.wait_dma2 semaphore(%run_scoped3A : memref<!tpu.dma_semaphore, #tpu.memory_space<semaphore_mem>>) src(%dma_wait3A_43 : memref<640x128xf32, #tpu.memory_space<vmem_shared>>) dst(%dma_wait3A_41 : memref<640x128xf32, #tpu.memory_space<hbm>>)
      tpu.yield
    }) : () -> ()
    return
  }
}

#map = affine_map<(d0, d1) -> (0)>
#map1 = affine_map<(d0, d1) -> (0, 0)>
module attributes {stable_mosaic.version = 14 : i64} {
  func.func @_sc_degree(%arg0: i32, %arg1: i32, %arg2: memref<320000xi32, #tpu.memory_space<hbm>>, %arg3: memref<32x10240xf32, #tpu.memory_space<hbm>>, %arg4: memref<10000xi32, #tpu.memory_space<vmem>>, %arg5: memref<10240xf32, #tpu.memory_space<vmem>>) attributes {dimension_semantics = [#tpu.dimension_semantics<core_parallel>, #tpu.dimension_semantics<subcore_parallel>], iteration_bounds = array<i64: 2, 16>, scalar_prefetch = 0 : i64, scratch_operands = 2 : i64, tpu.core_type = #tpu.core_type<sc_vector_subcore>, window_params = [{transform_indices = #map}, {transform_indices = #map1}]} {
    %mul3A = arith.constant 16 : i32
    %mul3A_0 = arith.muli %arg0, %mul3A : i32
    %add3A = arith.addi %mul3A_0, %arg1 : i32
    %broadcast_in_dim3A = arith.constant 0.000000e+00 : f32
    %broadcast_in_dim3A_1 = vector.broadcast %broadcast_in_dim3A : f32 to vector<16xf32>
    %scan3A = arith.constant 0 : i32
    %scan3A_2 = arith.constant 640 : i32
    %scan3A_3 = arith.addi %scan3A, %scan3A_2 : i32
    %scan3A_4 = arith.constant 1 : i32
    scf.for %scan3A_15 = %scan3A to %scan3A_3 step %scan3A_4  : i32 {
      %mul3A_16 = arith.constant 1 : i32
      %mul3A_17 = arith.muli %scan3A_15, %mul3A_16 : i32
      %add3A_18 = arith.constant 0 : i32
      %add3A_19 = arith.addi %add3A_18, %mul3A_17 : i32
      %mul3A_20 = arith.constant 16 : i32
      %mul3A_21 = arith.muli %add3A_19, %mul3A_20 : i32
      %swap3A = arith.index_cast %mul3A_21 : i32 to index
      %swap3A_22 = tpu.vector_load %arg5[%swap3A] {strides = array<i32>} : memref<10240xf32, #tpu.memory_space<vmem>>, vector<16xf32>,
      tpu.vector_store %arg5[%swap3A], %broadcast_in_dim3A_1 {strides = array<i32>} : memref<10240xf32, #tpu.memory_space<vmem>>, vector<16xf32>,
    }
    %scan3A_5 = arith.constant 640 : i32
    %mul3A_6 = arith.constant 10000 : i32
    %mul3A_7 = arith.muli %add3A, %mul3A_6 : i32
    "tpu.region"() ({
      %run_scoped3A = tpu.sem_alloc : memref<!tpu.dma_semaphore, #tpu.memory_space<semaphore_mem>>
      %dma_start3A = tpu.memref_slice %arg2[%mul3A_7] : memref<320000xi32, #tpu.memory_space<hbm>> -> memref<10000xi32, #tpu.memory_space<hbm>>
      %dma_start3A_15 = tpu.memref_slice %arg2[%mul3A_7] : memref<320000xi32, #tpu.memory_space<hbm>> -> memref<10000xi32, #tpu.memory_space<hbm>>
      tpu.enqueue_dma source(%dma_start3A_15 : memref<10000xi32, #tpu.memory_space<hbm>>) target(%arg4 : memref<10000xi32, #tpu.memory_space<vmem>>) target_semaphore(%run_scoped3A : memref<!tpu.dma_semaphore, #tpu.memory_space<semaphore_mem>>)
      %dma_wait3A = tpu.memref_slice %arg2[%mul3A_7] : memref<320000xi32, #tpu.memory_space<hbm>> -> memref<10000xi32, #tpu.memory_space<hbm>>
      %dma_wait3A_16 = tpu.memref_slice %arg2[%mul3A_7] : memref<320000xi32, #tpu.memory_space<hbm>> -> memref<10000xi32, #tpu.memory_space<hbm>>
      tpu.wait_dma2 semaphore(%run_scoped3A : memref<!tpu.dma_semaphore, #tpu.memory_space<semaphore_mem>>) src(%dma_wait3A_16 : memref<10000xi32, #tpu.memory_space<hbm>>) dst(%arg4 : memref<10000xi32, #tpu.memory_space<vmem>>)
      tpu.yield
    }) : () -> ()
    %broadcast_in_dim3A_8 = arith.constant 1.000000e+00 : f32
    %broadcast_in_dim3A_9 = vector.broadcast %broadcast_in_dim3A_8 : f32 to vector<16xf32>
    %scan3A_10 = arith.constant 0 : i32
    %scan3A_11 = arith.constant 625 : i32
    %scan3A_12 = arith.addi %scan3A_10, %scan3A_11 : i32
    %scan3A_13 = arith.constant 1 : i32
    scf.for %scan3A_15 = %scan3A_10 to %scan3A_12 step %scan3A_13  : i32 {
      %mul3A_16 = arith.constant 1 : i32
      %mul3A_17 = arith.muli %scan3A_15, %mul3A_16 : i32
      %add3A_18 = arith.constant 0 : i32
      %add3A_19 = arith.addi %add3A_18, %mul3A_17 : i32
      %mul3A_20 = arith.constant 16 : i32
      %mul3A_21 = arith.muli %add3A_19, %mul3A_20 : i32
      %get3A = arith.index_cast %mul3A_21 : i32 to index
      %get3A_22 = tpu.vector_load %arg4[%get3A] {strides = array<i32>} : memref<10000xi32, #tpu.memory_space<vmem>>, vector<16xi32>,
      tpu.vector_store_idx %arg5[%get3A_22], %broadcast_in_dim3A_9 {add = true} : memref<10240xf32, #tpu.memory_space<vmem>>[vector<16xi32>], vector<16xf32>,
    }
    %scan3A_14 = arith.constant 625 : i32
    "tpu.region"() ({
      %run_scoped3A = tpu.sem_alloc : memref<!tpu.dma_semaphore, #tpu.memory_space<semaphore_mem>>
      %dma_start3A = arith.constant 0 : i32
      %dma_start3A_15 = tpu.memref_slice %arg3[%add3A, %dma_start3A] : memref<32x10240xf32, #tpu.memory_space<hbm>> -> memref<1x10240xf32, #tpu.memory_space<hbm>>
      %dma_start3A_16 = tpu.memref_squeeze %dma_start3A_15 : memref<1x10240xf32, #tpu.memory_space<hbm>> -> memref<10240xf32, #tpu.memory_space<hbm>>
      %dma_start3A_17 = arith.constant 0 : i32
      %dma_start3A_18 = tpu.memref_slice %arg3[%add3A, %dma_start3A_17] : memref<32x10240xf32, #tpu.memory_space<hbm>> -> memref<1x10240xf32, #tpu.memory_space<hbm>>
      %dma_start3A_19 = tpu.memref_squeeze %dma_start3A_18 : memref<1x10240xf32, #tpu.memory_space<hbm>> -> memref<10240xf32, #tpu.memory_space<hbm>>
      tpu.enqueue_dma source(%arg5 : memref<10240xf32, #tpu.memory_space<vmem>>) target(%dma_start3A_19 : memref<10240xf32, #tpu.memory_space<hbm>>) target_semaphore(%run_scoped3A : memref<!tpu.dma_semaphore, #tpu.memory_space<semaphore_mem>>)
      %dma_wait3A = arith.constant 0 : i32
      %dma_wait3A_20 = tpu.memref_slice %arg3[%add3A, %dma_wait3A] : memref<32x10240xf32, #tpu.memory_space<hbm>> -> memref<1x10240xf32, #tpu.memory_space<hbm>>
      %dma_wait3A_21 = tpu.memref_squeeze %dma_wait3A_20 : memref<1x10240xf32, #tpu.memory_space<hbm>> -> memref<10240xf32, #tpu.memory_space<hbm>>
      %dma_wait3A_22 = arith.constant 0 : i32
      %dma_wait3A_23 = tpu.memref_slice %arg3[%add3A, %dma_wait3A_22] : memref<32x10240xf32, #tpu.memory_space<hbm>> -> memref<1x10240xf32, #tpu.memory_space<hbm>>
      %dma_wait3A_24 = tpu.memref_squeeze %dma_wait3A_23 : memref<1x10240xf32, #tpu.memory_space<hbm>> -> memref<10240xf32, #tpu.memory_space<hbm>>
      tpu.wait_dma2 semaphore(%run_scoped3A : memref<!tpu.dma_semaphore, #tpu.memory_space<semaphore_mem>>) src(%arg5 : memref<10240xf32, #tpu.memory_space<vmem>>) dst(%dma_wait3A_24 : memref<10240xf32, #tpu.memory_space<hbm>>)
      tpu.yield
    }) : () -> ()
    return
  }
}

#map = affine_map<(d0, d1) -> (0)>
#map1 = affine_map<(d0, d1) -> (0, 0)>
module attributes {stable_mosaic.version = 14 : i64} {
  func.func @_sc_agg_scalar(%arg0: i32, %arg1: i32, %arg2: memref<320000xi32, #tpu.memory_space<hbm>>, %arg3: memref<320000xi32, #tpu.memory_space<hbm>>, %arg4: memref<10240xf32, #tpu.memory_space<hbm>>, %arg5: memref<32x10240xf32, #tpu.memory_space<hbm>>, %arg6: memref<10000xi32, #tpu.memory_space<vmem>>, %arg7: memref<10000xi32, #tpu.memory_space<vmem>>, %arg8: memref<10240xf32, #tpu.memory_space<vmem>>, %arg9: memref<10240xf32, #tpu.memory_space<vmem>>) attributes {dimension_semantics = [#tpu.dimension_semantics<core_parallel>, #tpu.dimension_semantics<subcore_parallel>], iteration_bounds = array<i64: 2, 16>, scalar_prefetch = 0 : i64, scratch_operands = 4 : i64, tpu.core_type = #tpu.core_type<sc_vector_subcore>, window_params = [{transform_indices = #map}, {transform_indices = #map}, {transform_indices = #map}, {transform_indices = #map1}]} {
    %mul3A = arith.constant 16 : i32
    %mul3A_0 = arith.muli %arg0, %mul3A : i32
    %add3A = arith.addi %mul3A_0, %arg1 : i32
    %broadcast_in_dim3A = arith.constant 0.000000e+00 : f32
    %broadcast_in_dim3A_1 = vector.broadcast %broadcast_in_dim3A : f32 to vector<16xf32>
    %scan3A = arith.constant 0 : i32
    %scan3A_2 = arith.constant 640 : i32
    %scan3A_3 = arith.addi %scan3A, %scan3A_2 : i32
    %scan3A_4 = arith.constant 1 : i32
    scf.for %scan3A_15 = %scan3A to %scan3A_3 step %scan3A_4  : i32 {
      %mul3A_16 = arith.constant 1 : i32
      %mul3A_17 = arith.muli %scan3A_15, %mul3A_16 : i32
      %add3A_18 = arith.constant 0 : i32
      %add3A_19 = arith.addi %add3A_18, %mul3A_17 : i32
      %mul3A_20 = arith.constant 16 : i32
      %mul3A_21 = arith.muli %add3A_19, %mul3A_20 : i32
      %swap3A = arith.index_cast %mul3A_21 : i32 to index
      %swap3A_22 = tpu.vector_load %arg9[%swap3A] {strides = array<i32>} : memref<10240xf32, #tpu.memory_space<vmem>>, vector<16xf32>,
      tpu.vector_store %arg9[%swap3A], %broadcast_in_dim3A_1 {strides = array<i32>} : memref<10240xf32, #tpu.memory_space<vmem>>, vector<16xf32>,
    }
    %scan3A_5 = arith.constant 640 : i32
    "tpu.region"() ({
      %run_scoped3A = tpu.sem_alloc : memref<!tpu.dma_semaphore, #tpu.memory_space<semaphore_mem>>
      tpu.enqueue_dma source(%arg4 : memref<10240xf32, #tpu.memory_space<hbm>>) target(%arg8 : memref<10240xf32, #tpu.memory_space<vmem>>) target_semaphore(%run_scoped3A : memref<!tpu.dma_semaphore, #tpu.memory_space<semaphore_mem>>)
      tpu.wait_dma2 semaphore(%run_scoped3A : memref<!tpu.dma_semaphore, #tpu.memory_space<semaphore_mem>>) src(%arg4 : memref<10240xf32, #tpu.memory_space<hbm>>) dst(%arg8 : memref<10240xf32, #tpu.memory_space<vmem>>)
      tpu.yield
    }) : () -> ()
    %mul3A_6 = arith.constant 10000 : i32
    %mul3A_7 = arith.muli %add3A, %mul3A_6 : i32
    "tpu.region"() ({
      %run_scoped3A = tpu.sem_alloc : memref<!tpu.dma_semaphore, #tpu.memory_space<semaphore_mem>>
      %dma_start3A = tpu.memref_slice %arg2[%mul3A_7] : memref<320000xi32, #tpu.memory_space<hbm>> -> memref<10000xi32, #tpu.memory_space<hbm>>
      %dma_start3A_15 = tpu.memref_slice %arg2[%mul3A_7] : memref<320000xi32, #tpu.memory_space<hbm>> -> memref<10000xi32, #tpu.memory_space<hbm>>
      tpu.enqueue_dma source(%dma_start3A_15 : memref<10000xi32, #tpu.memory_space<hbm>>) target(%arg6 : memref<10000xi32, #tpu.memory_space<vmem>>) target_semaphore(%run_scoped3A : memref<!tpu.dma_semaphore, #tpu.memory_space<semaphore_mem>>)
      %dma_wait3A = tpu.memref_slice %arg2[%mul3A_7] : memref<320000xi32, #tpu.memory_space<hbm>> -> memref<10000xi32, #tpu.memory_space<hbm>>
      %dma_wait3A_16 = tpu.memref_slice %arg2[%mul3A_7] : memref<320000xi32, #tpu.memory_space<hbm>> -> memref<10000xi32, #tpu.memory_space<hbm>>
      tpu.wait_dma2 semaphore(%run_scoped3A : memref<!tpu.dma_semaphore, #tpu.memory_space<semaphore_mem>>) src(%dma_wait3A_16 : memref<10000xi32, #tpu.memory_space<hbm>>) dst(%arg6 : memref<10000xi32, #tpu.memory_space<vmem>>)
      tpu.yield
    }) : () -> ()
    %mul3A_8 = arith.constant 10000 : i32
    %mul3A_9 = arith.muli %add3A, %mul3A_8 : i32
    "tpu.region"() ({
      %run_scoped3A = tpu.sem_alloc : memref<!tpu.dma_semaphore, #tpu.memory_space<semaphore_mem>>
      %dma_start3A = tpu.memref_slice %arg3[%mul3A_9] : memref<320000xi32, #tpu.memory_space<hbm>> -> memref<10000xi32, #tpu.memory_space<hbm>>
      %dma_start3A_15 = tpu.memref_slice %arg3[%mul3A_9] : memref<320000xi32, #tpu.memory_space<hbm>> -> memref<10000xi32, #tpu.memory_space<hbm>>
      tpu.enqueue_dma source(%dma_start3A_15 : memref<10000xi32, #tpu.memory_space<hbm>>) target(%arg7 : memref<10000xi32, #tpu.memory_space<vmem>>) target_semaphore(%run_scoped3A : memref<!tpu.dma_semaphore, #tpu.memory_space<semaphore_mem>>)
      %dma_wait3A = tpu.memref_slice %arg3[%mul3A_9] : memref<320000xi32, #tpu.memory_space<hbm>> -> memref<10000xi32, #tpu.memory_space<hbm>>
      %dma_wait3A_16 = tpu.memref_slice %arg3[%mul3A_9] : memref<320000xi32, #tpu.memory_space<hbm>> -> memref<10000xi32, #tpu.memory_space<hbm>>
      tpu.wait_dma2 semaphore(%run_scoped3A : memref<!tpu.dma_semaphore, #tpu.memory_space<semaphore_mem>>) src(%dma_wait3A_16 : memref<10000xi32, #tpu.memory_space<hbm>>) dst(%arg7 : memref<10000xi32, #tpu.memory_space<vmem>>)
      tpu.yield
    }) : () -> ()
    %scan3A_10 = arith.constant 0 : i32
    %scan3A_11 = arith.constant 625 : i32
    %scan3A_12 = arith.addi %scan3A_10, %scan3A_11 : i32
    %scan3A_13 = arith.constant 1 : i32
    scf.for %scan3A_15 = %scan3A_10 to %scan3A_12 step %scan3A_13  : i32 {
      %mul3A_16 = arith.constant 1 : i32
      %mul3A_17 = arith.muli %scan3A_15, %mul3A_16 : i32
      %add3A_18 = arith.constant 0 : i32
      %add3A_19 = arith.addi %add3A_18, %mul3A_17 : i32
      %mul3A_20 = arith.constant 16 : i32
      %mul3A_21 = arith.muli %add3A_19, %mul3A_20 : i32
      %get3A = arith.index_cast %mul3A_21 : i32 to index
      %get3A_22 = tpu.vector_load %arg6[%get3A] {strides = array<i32>} : memref<10000xi32, #tpu.memory_space<vmem>>, vector<16xi32>,
      %mul3A_23 = arith.constant 16 : i32
      %mul3A_24 = arith.muli %add3A_19, %mul3A_23 : i32
      %get3A_25 = arith.index_cast %mul3A_24 : i32 to index
      %get3A_26 = tpu.vector_load %arg7[%get3A_25] {strides = array<i32>} : memref<10000xi32, #tpu.memory_space<vmem>>, vector<16xi32>,
      %gather3A = tpu.vector_load_idx %arg8[%get3A_22] : memref<10240xf32, #tpu.memory_space<vmem>>[vector<16xi32>], vector<16xf32>,
      tpu.vector_store_idx %arg9[%get3A_26], %gather3A {add = true} : memref<10240xf32, #tpu.memory_space<vmem>>[vector<16xi32>], vector<16xf32>,
    }
    %scan3A_14 = arith.constant 625 : i32
    "tpu.region"() ({
      %run_scoped3A = tpu.sem_alloc : memref<!tpu.dma_semaphore, #tpu.memory_space<semaphore_mem>>
      %dma_start3A = arith.constant 0 : i32
      %dma_start3A_15 = tpu.memref_slice %arg5[%add3A, %dma_start3A] : memref<32x10240xf32, #tpu.memory_space<hbm>> -> memref<1x10240xf32, #tpu.memory_space<hbm>>
      %dma_start3A_16 = tpu.memref_squeeze %dma_start3A_15 : memref<1x10240xf32, #tpu.memory_space<hbm>> -> memref<10240xf32, #tpu.memory_space<hbm>>
      %dma_start3A_17 = arith.constant 0 : i32
      %dma_start3A_18 = tpu.memref_slice %arg5[%add3A, %dma_start3A_17] : memref<32x10240xf32, #tpu.memory_space<hbm>> -> memref<1x10240xf32, #tpu.memory_space<hbm>>
      %dma_start3A_19 = tpu.memref_squeeze %dma_start3A_18 : memref<1x10240xf32, #tpu.memory_space<hbm>> -> memref<10240xf32, #tpu.memory_space<hbm>>
      tpu.enqueue_dma source(%arg9 : memref<10240xf32, #tpu.memory_space<vmem>>) target(%dma_start3A_19 : memref<10240xf32, #tpu.memory_space<hbm>>) target_semaphore(%run_scoped3A : memref<!tpu.dma_semaphore, #tpu.memory_space<semaphore_mem>>)
      %dma_wait3A = arith.constant 0 : i32
      %dma_wait3A_20 = tpu.memref_slice %arg5[%add3A, %dma_wait3A] : memref<32x10240xf32, #tpu.memory_space<hbm>> -> memref<1x10240xf32, #tpu.memory_space<hbm>>
      %dma_wait3A_21 = tpu.memref_squeeze %dma_wait3A_20 : memref<1x10240xf32, #tpu.memory_space<hbm>> -> memref<10240xf32, #tpu.memory_space<hbm>>
      %dma_wait3A_22 = arith.constant 0 : i32
      %dma_wait3A_23 = tpu.memref_slice %arg5[%add3A, %dma_wait3A_22] : memref<32x10240xf32, #tpu.memory_space<hbm>> -> memref<1x10240xf32, #tpu.memory_space<hbm>>
      %dma_wait3A_24 = tpu.memref_squeeze %dma_wait3A_23 : memref<1x10240xf32, #tpu.memory_space<hbm>> -> memref<10240xf32, #tpu.memory_space<hbm>>
      tpu.wait_dma2 semaphore(%run_scoped3A : memref<!tpu.dma_semaphore, #tpu.memory_space<semaphore_mem>>) src(%arg9 : memref<10240xf32, #tpu.memory_space<vmem>>) dst(%dma_wait3A_24 : memref<10240xf32, #tpu.memory_space<hbm>>)
      tpu.yield
    }) : () -> ()
    return
  }
}

module attributes {stable_mosaic.version = 14 : i64} {
  func.func @_tc_scale_body(%arg0: i32, %arg1: memref<32x1024xf32, #tpu.memory_space<vmem>>, %arg2: memref<1024x128xf32, #tpu.memory_space<vmem>>, %arg3: memref<128x128xf32, #tpu.memory_space<vmem>>, %arg4: memref<1024x128xf32, #tpu.memory_space<vmem>>, %arg5: memref<1024x1xf32, #tpu.memory_space<vmem>>) attributes {dimension_semantics = [#tpu.dimension_semantics<arbitrary>], iteration_bounds = array<i64: 10>, scalar_prefetch = 0 : i64, scratch_operands = 0 : i64, tpu.core_type = #tpu.core_type<tc>, window_params = [{transform_indices = @transform_0, window_bounds = array<i64: 32, 1024>}, {transform_indices = @transform_1, window_bounds = array<i64: 1024, 128>}, {pipeline_mode = #tpu.pipeline_mode<synchronous>, transform_indices = @transform_2, window_bounds = array<i64: 128, 128>}, {transform_indices = @transform_3, window_bounds = array<i64: 1024, 128>}, {transform_indices = @transform_4, window_bounds = array<i64: 1024, 1>}]} {
    %get3A = arith.constant 0 : index
    %get3A_0 = arith.constant 0 : index
    %get3A_1 = vector.load %arg1[%get3A, %get3A_0] : memref<32x1024xf32, #tpu.memory_space<vmem>>, vector<32x1024xf32>
    %reduce_sum3A = arith.constant dense<0.000000e+00> : vector<1024xf32>
    %reduce_sum3A_2 = vector.multi_reduction <add>, %get3A_1, %reduce_sum3A [0] : vector<32x1024xf32> to vector<1024xf32>
    %add3A = arith.constant 1.000000e+00 : f32
    %add3A_3 = vector.broadcast %add3A : f32 to vector<1024xf32>
    %add3A_4 = arith.addf %reduce_sum3A_2, %add3A_3 : vector<1024xf32>
    %rsqrt3A = math.rsqrt %add3A_4 : vector<1024xf32>
    %get3A_5 = arith.constant 0 : index
    %get3A_6 = arith.constant 0 : index
    %get3A_7 = vector.load %arg2[%get3A_5, %get3A_6] : memref<1024x128xf32, #tpu.memory_space<vmem>>, vector<1024x128xf32>
    %get3A_8 = arith.constant 0 : index
    %get3A_9 = arith.constant 0 : index
    %get3A_10 = vector.load %arg3[%get3A_8, %get3A_9] : memref<128x128xf32, #tpu.memory_space<vmem>>, vector<128x128xf32>
    %dot_general3A = arith.constant dense<0.000000e+00> : vector<1024x128xf32>
    %dot_general3A_11 = tpu.matmul %get3A_7, %get3A_10, %dot_general3A {dimension_numbers = #tpu.dot_dimension_numbers<[1], [0], [0], [1], [0, 0, 1, 1], [], []>, transpose_lhs_hint = false} : vector<1024x128xf32>, vector<128x128xf32>, vector<1024x128xf32> -> vector<1024x128xf32>
    %broadcast_in_dim3A = vector.shape_cast %rsqrt3A : vector<1024xf32> to vector<1024x1xf32>
    %mul3A = vector.broadcast %broadcast_in_dim3A : vector<1024x1xf32> to vector<1024x128xf32>
    %mul3A_12 = arith.mulf %dot_general3A_11, %mul3A : vector<1024x128xf32>
    %swap3A = arith.constant 0 : index
    %swap3A_13 = arith.constant 0 : index
    %swap3A_14 = vector.load %arg4[%swap3A, %swap3A_13] : memref<1024x128xf32, #tpu.memory_space<vmem>>, vector<1024x128xf32>
    tpu.vector_store %arg4[%swap3A, %swap3A_13], %mul3A_12 {strides = array<i32>} : memref<1024x128xf32, #tpu.memory_space<vmem>>, vector<1024x128xf32>,
    %broadcast_in_dim3A_15 = vector.shape_cast %rsqrt3A : vector<1024xf32> to vector<1024x1xf32>
    %swap3A_16 = arith.constant 0 : index
    %swap3A_17 = arith.constant 0 : index
    %swap3A_18 = vector.load %arg5[%swap3A_16, %swap3A_17] : memref<1024x1xf32, #tpu.memory_space<vmem>>, vector<1024x1xf32>
    tpu.vector_store %arg5[%swap3A_16, %swap3A_17], %broadcast_in_dim3A_15 {strides = array<i32>} : memref<1024x1xf32, #tpu.memory_space<vmem>>, vector<1024x1xf32>,
    return
  }
  func.func @transform_0(%arg0: i32) -> (i32, i32) {
    %c0_i32 = arith.constant 0 : i32
    %c0_i32_0 = arith.constant 0 : i32
    return %c0_i32, %arg0 : i32, i32
  }
  func.func @transform_1(%arg0: i32) -> (i32, i32) {
    %c0_i32 = arith.constant 0 : i32
    %c0_i32_0 = arith.constant 0 : i32
    return %arg0, %c0_i32 : i32, i32
  }
  func.func @transform_2(%arg0: i32) -> (i32, i32) {
    %c0_i32 = arith.constant 0 : i32
    %c0_i32_0 = arith.constant 0 : i32
    %c0_i32_1 = arith.constant 0 : i32
    return %c0_i32, %c0_i32_0 : i32, i32
  }
  func.func @transform_3(%arg0: i32) -> (i32, i32) {
    %c0_i32 = arith.constant 0 : i32
    %c0_i32_0 = arith.constant 0 : i32
    return %arg0, %c0_i32 : i32, i32
  }
  func.func @transform_4(%arg0: i32) -> (i32, i32) {
    %c0_i32 = arith.constant 0 : i32
    %c0_i32_0 = arith.constant 0 : i32
    return %arg0, %c0_i32 : i32, i32
  }
}

module attributes {stable_mosaic.version = 14 : i64} {
  func.func @_tc_layer1_body(%arg0: i32, %arg1: memref<2x1024x128xf32, #tpu.memory_space<vmem>>, %arg2: memref<1024x128xf32, #tpu.memory_space<vmem>>, %arg3: memref<1024x1xf32, #tpu.memory_space<vmem>>, %arg4: memref<1x128xf32, #tpu.memory_space<vmem>>, %arg5: memref<128x1xf32, #tpu.memory_space<vmem>>, %arg6: memref<1024x1xf32, #tpu.memory_space<vmem>>) attributes {dimension_semantics = [#tpu.dimension_semantics<arbitrary>], iteration_bounds = array<i64: 10>, scalar_prefetch = 0 : i64, scratch_operands = 0 : i64, tpu.core_type = #tpu.core_type<tc>, window_params = [{transform_indices = @transform_0, window_bounds = array<i64: 2, 1024, 128>}, {transform_indices = @transform_1, window_bounds = array<i64: 1024, 128>}, {transform_indices = @transform_2, window_bounds = array<i64: 1024, 1>}, {pipeline_mode = #tpu.pipeline_mode<synchronous>, transform_indices = @transform_3, window_bounds = array<i64: 1, 128>}, {pipeline_mode = #tpu.pipeline_mode<synchronous>, transform_indices = @transform_4, window_bounds = array<i64: 128, 1>}, {transform_indices = @transform_5, window_bounds = array<i64: 1024, 1>}]} {
    %get3A = arith.constant 0 : index
    %get3A_0 = arith.constant 0 : index
    %get3A_1 = vector.load %arg3[%get3A, %get3A_0] : memref<1024x1xf32, #tpu.memory_space<vmem>>, vector<1024x1xf32>
    %get3A_2 = arith.constant 0 : index
    %get3A_3 = arith.constant 0 : index
    %get3A_4 = arith.constant 0 : index
    %get3A_5 = vector.load %arg1[%get3A_2, %get3A_3, %get3A_4] : memref<2x1024x128xf32, #tpu.memory_space<vmem>>, vector<1x1024x128xf32>
    %get3A_6 = vector.shape_cast %get3A_5 : vector<1x1024x128xf32> to vector<1024x128xf32>
    %get3A_7 = arith.constant 1 : index
    %get3A_8 = arith.constant 0 : index
    %get3A_9 = arith.constant 0 : index
    %get3A_10 = vector.load %arg1[%get3A_7, %get3A_8, %get3A_9] : memref<2x1024x128xf32, #tpu.memory_space<vmem>>, vector<1x1024x128xf32>
    %get3A_11 = vector.shape_cast %get3A_10 : vector<1x1024x128xf32> to vector<1024x128xf32>
    %add3A = arith.addf %get3A_6, %get3A_11 : vector<1024x128xf32>
    %get3A_12 = arith.constant 0 : index
    %get3A_13 = arith.constant 0 : index
    %get3A_14 = vector.load %arg2[%get3A_12, %get3A_13] : memref<1024x128xf32, #tpu.memory_space<vmem>>, vector<1024x128xf32>
    %add3A_15 = arith.addf %add3A, %get3A_14 : vector<1024x128xf32>
    %mul3A = vector.broadcast %get3A_1 : vector<1024x1xf32> to vector<1024x128xf32>
    %mul3A_16 = arith.mulf %mul3A, %add3A_15 : vector<1024x128xf32>
    %get3A_17 = arith.constant 0 : index
    %get3A_18 = arith.constant 0 : index
    %get3A_19 = vector.load %arg4[%get3A_17, %get3A_18] : memref<1x128xf32, #tpu.memory_space<vmem>>, vector<1x128xf32>
    %add3A_20 = vector.broadcast %get3A_19 : vector<1x128xf32> to vector<1024x128xf32>
    %add3A_21 = arith.addf %mul3A_16, %add3A_20 : vector<1024x128xf32>
    %max3A = arith.constant 0.000000e+00 : f32
    %max3A_22 = vector.broadcast %max3A : f32 to vector<1024x128xf32>
    %max3A_23 = arith.maximumf %add3A_21, %max3A_22 : vector<1024x128xf32>
    %get3A_24 = arith.constant 0 : index
    %get3A_25 = arith.constant 0 : index
    %get3A_26 = vector.load %arg5[%get3A_24, %get3A_25] : memref<128x1xf32, #tpu.memory_space<vmem>>, vector<128x1xf32>
    %dot_general3A = arith.constant dense<0.000000e+00> : vector<1024x1xf32>
    %dot_general3A_27 = tpu.matmul %max3A_23, %get3A_26, %dot_general3A {dimension_numbers = #tpu.dot_dimension_numbers<[1], [0], [0], [1], [0, 0, 1, 1], [], []>, transpose_lhs_hint = false} : vector<1024x128xf32>, vector<128x1xf32>, vector<1024x1xf32> -> vector<1024x1xf32>
    %mul3A_28 = arith.mulf %get3A_1, %dot_general3A_27 : vector<1024x1xf32>
    %swap3A = arith.constant 0 : index
    %swap3A_29 = arith.constant 0 : index
    %swap3A_30 = vector.load %arg6[%swap3A, %swap3A_29] : memref<1024x1xf32, #tpu.memory_space<vmem>>, vector<1024x1xf32>
    tpu.vector_store %arg6[%swap3A, %swap3A_29], %mul3A_28 {strides = array<i32>} : memref<1024x1xf32, #tpu.memory_space<vmem>>, vector<1024x1xf32>,
    return
  }
  func.func @transform_0(%arg0: i32) -> (i32, i32, i32) {
    %c0_i32 = arith.constant 0 : i32
    %c0_i32_0 = arith.constant 0 : i32
    %c0_i32_1 = arith.constant 0 : i32
    return %c0_i32, %arg0, %c0_i32_0 : i32, i32, i32
  }
  func.func @transform_1(%arg0: i32) -> (i32, i32) {
    %c0_i32 = arith.constant 0 : i32
    %c0_i32_0 = arith.constant 0 : i32
    return %arg0, %c0_i32 : i32, i32
  }
  func.func @transform_2(%arg0: i32) -> (i32, i32) {
    %c0_i32 = arith.constant 0 : i32
    %c0_i32_0 = arith.constant 0 : i32
    return %arg0, %c0_i32 : i32, i32
  }
  func.func @transform_3(%arg0: i32) -> (i32, i32) {
    %c0_i32 = arith.constant 0 : i32
    %c0_i32_0 = arith.constant 0 : i32
    %c0_i32_1 = arith.constant 0 : i32
    return %c0_i32, %c0_i32_0 : i32, i32
  }
  func.func @transform_4(%arg0: i32) -> (i32, i32) {
    %c0_i32 = arith.constant 0 : i32
    %c0_i32_0 = arith.constant 0 : i32
    %c0_i32_1 = arith.constant 0 : i32
    return %c0_i32, %c0_i32_0 : i32, i32
  }
  func.func @transform_5(%arg0: i32) -> (i32, i32) {
    %c0_i32 = arith.constant 0 : i32
    %c0_i32_0 = arith.constant 0 : i32
    return %arg0, %c0_i32 : i32, i32
  }
}

module attributes {stable_mosaic.version = 14 : i64} {
  func.func @_tc_final_body(%arg0: i32, %arg1: memref<32x1024xf32, #tpu.memory_space<vmem>>, %arg2: memref<1024x1xf32, #tpu.memory_space<vmem>>, %arg3: memref<1024x1xf32, #tpu.memory_space<vmem>>, %arg4: memref<1x1xf32, #tpu.memory_space<vmem>>, %arg5: memref<1024x1xf32, #tpu.memory_space<vmem>>) attributes {dimension_semantics = [#tpu.dimension_semantics<arbitrary>], iteration_bounds = array<i64: 10>, scalar_prefetch = 0 : i64, scratch_operands = 0 : i64, tpu.core_type = #tpu.core_type<tc>, window_params = [{transform_indices = @transform_0, window_bounds = array<i64: 32, 1024>}, {transform_indices = @transform_1, window_bounds = array<i64: 1024, 1>}, {transform_indices = @transform_2, window_bounds = array<i64: 1024, 1>}, {pipeline_mode = #tpu.pipeline_mode<synchronous>, transform_indices = @transform_3, window_bounds = array<i64: 1, 1>}, {transform_indices = @transform_4, window_bounds = array<i64: 1024, 1>}]} {
    %get3A = arith.constant 0 : index
    %get3A_0 = arith.constant 0 : index
    %get3A_1 = vector.load %arg1[%get3A, %get3A_0] : memref<32x1024xf32, #tpu.memory_space<vmem>>, vector<32x1024xf32>
    %reduce_sum3A = arith.constant dense<0.000000e+00> : vector<1024xf32>
    %reduce_sum3A_2 = vector.multi_reduction <add>, %get3A_1, %reduce_sum3A [0] : vector<32x1024xf32> to vector<1024xf32>
    %broadcast_in_dim3A = vector.shape_cast %reduce_sum3A_2 : vector<1024xf32> to vector<1024x1xf32>
    %get3A_3 = arith.constant 0 : index
    %get3A_4 = arith.constant 0 : index
    %get3A_5 = vector.load %arg3[%get3A_3, %get3A_4] : memref<1024x1xf32, #tpu.memory_space<vmem>>, vector<1024x1xf32>
    %get3A_6 = arith.constant 0 : index
    %get3A_7 = arith.constant 0 : index
    %get3A_8 = vector.load %arg2[%get3A_6, %get3A_7] : memref<1024x1xf32, #tpu.memory_space<vmem>>, vector<1024x1xf32>
    %add3A = arith.addf %broadcast_in_dim3A, %get3A_8 : vector<1024x1xf32>
    %mul3A = arith.mulf %get3A_5, %add3A : vector<1024x1xf32>
    %get3A_9 = arith.constant 0 : index
    %get3A_10 = arith.constant 0 : index
    %get3A_11 = vector.load %arg4[%get3A_9, %get3A_10] : memref<1x1xf32, #tpu.memory_space<vmem>>, vector<1x1xf32>
    %add3A_12 = vector.broadcast %get3A_11 : vector<1x1xf32> to vector<1024x1xf32>
    %add3A_13 = arith.addf %mul3A, %add3A_12 : vector<1024x1xf32>
    %swap3A = arith.constant 0 : index
    %swap3A_14 = arith.constant 0 : index
    %swap3A_15 = vector.load %arg5[%swap3A, %swap3A_14] : memref<1024x1xf32, #tpu.memory_space<vmem>>, vector<1024x1xf32>
    tpu.vector_store %arg5[%swap3A, %swap3A_14], %add3A_13 {strides = array<i32>} : memref<1024x1xf32, #tpu.memory_space<vmem>>, vector<1024x1xf32>,
    return
  }
  func.func @transform_0(%arg0: i32) -> (i32, i32) {
    %c0_i32 = arith.constant 0 : i32
    %c0_i32_0 = arith.constant 0 : i32
    return %c0_i32, %arg0 : i32, i32
  }
  func.func @transform_1(%arg0: i32) -> (i32, i32) {
    %c0_i32 = arith.constant 0 : i32
    %c0_i32_0 = arith.constant 0 : i32
    return %arg0, %c0_i32 : i32, i32
  }
  func.func @transform_2(%arg0: i32) -> (i32, i32) {
    %c0_i32 = arith.constant 0 : i32
    %c0_i32_0 = arith.constant 0 : i32
    return %arg0, %c0_i32 : i32, i32
  }
  func.func @transform_3(%arg0: i32) -> (i32, i32) {
    %c0_i32 = arith.constant 0 : i32
    %c0_i32_0 = arith.constant 0 : i32
    %c0_i32_1 = arith.constant 0 : i32
    return %c0_i32, %c0_i32_0 : i32, i32
  }
  func.func @transform_4(%arg0: i32) -> (i32, i32) {
    %c0_i32 = arith.constant 0 : i32
    %c0_i32_0 = arith.constant 0 : i32
    return %arg0, %c0_i32 : i32, i32
  }
}

</mosaic_0001>

<sc_bundles>
// kernel: kernel.11.cloned.1.call-start
scs
__scs_entry_jumppad:
0x0: {  	(pc) =	sbr.rel $0x88, $3  }
0x1: {  	(tag) =	ssettag $0x0;
	lr =	simm.s32 $0x1  }
0x2: {  	[smem:$0x3F9B] =	sst lr;
	_ =	strace $0xD0000000  }
0x3: {  	_ = 	snop  }
0x4: {  	_ = 	snop  }
0x5: {  	_ = 	snop  }
0x6: {  	_ = 	snop  }
0x7: {  	_ = 	snop  }
__scs_overlays_trampoline_lowered:
0x8: {  	[smem:$0x3FAA] =	sst s0  }
0x9: {  	[smem:$0x3FAB] =	sst s1  }
0xa: {  	[smem:$0x3FAC] =	sst s2  }
0xb: {  	[smem:$0x3FAD] =	sst s3  }
0xc: {  	[smem:$0x3FAE] =	sst s4  }
0xd: {  	[smem:$0x3FAF] =	sst s5  }
0xe: {  	[smem:$0x3FB0] =	sst s6  }
0xf: {  	[smem:$0x3FB1] =	sst s7  }
0x10: {  	[smem:$0x3FB2] =	sst s8  }
0x11: {  	[smem:$0x3FB3] =	sst s9;
	s0 =	simm.s32 @!p0 $0x0  }
0x12: {  	s1 =	sld [smem:$0x3F99];
	s0 =	simm.s32 @p0 $0x1  }
0x13: {  	[smem:$0x3FB4] =	sst s0;
	s0 =	simm.s32 @!p1 $0x0  }
0x14: {  	s2 =	sld [smem:$0x3F98];
	s0 =	simm.s32 @p1 $0x1  }
0x15: {  	[smem:$0x3FB5] =	sst s0;
	s0 =	simm.s32 @!p2 $0x0  }
0x16: {  	s3 =	sld [smem:$0x3FDB];
	s0 =	simm.s32 @p2 $0x1  }
0x17: {  	s4 =	simm.s32 $0x1BF5;
	[smem:$0x3FB7] =	sst s0  }
0x18: {  	s0 =	sld [smem:$0x3F9A];
	_ =	swait.ge [sflag:s4], $0x0  }
0x19: {  	s7 =	sld [smem:$0x3F9B]  }
0x1a: {  	s8 =	sadd.s32 $0xFFFFE003, lr  }
0x1b: {  	s9 =	sadd.s32 $0xFFFFFEF7, lr;
	s5 =	simm.s32 $0xFFFFFFFF;
	p2 =	slt.u32 s8, $0xFFFFF086  }
0x1c: {  	p1 =	slt.u32 s9, $0xF7A;
	s5 =	simm.s32 @!p2 $0x0  }
0x1d: {  	s5 =	simm.s32 @p1 $0x1;
	p0 =	seq.s32 s7, s2  }
0x1e: {  	s7 =	smul.u32 @!p0 $0xF7A, s2;
	p2 =	seq.s32 @!p0 s5, $0x0  }
0x1f: {  	s9 =	smul.u32 $0xF7A, s1;
	s8 =	simm.s32 @!p0 $0x1BF5;
	p2 =	por !p2, p0  }
0x20: {  	[sflag:s8] =	ssyncset.s32 @!p0 $0xFFFFF086;
	s6 =	sadd.s32 @!p0 s3, s7;
	s7 =	simm.s32 @!p0 $0x108  }
0x21: {  	s3 =	sadd.s32 s3, s9;
	s6 =	sadd.s32 @!p0 $0x88, s6;
	s7 =	simm.s32 @p2 $0x1082  }
0x22: {  	[simem:s7], [sflag:s8] =	dma.local @!p0 [hbm:s6], $0xF7A  }
0x23: {  	s9 =	sor.u32 $0xD0000000, s2;
	s6 =	simm.s32 $0x108;
	_ =	swait.ge @!p0 [sflag:s8], $0x0  }
0x24: {  	s3 =	sadd.s32 $0x88, s3;
	s6 =	simm.s32 @!p1 $0x1082;
	[sflag:s4] =	ssyncset.s32 $0xFFFFF086  }
0x25: {  	[simem:s6], [sflag:s4] =	dma.local [hbm:s3], $0xF7A  }
0x26: {  	[smem:$0x3F9B] =	sst s1;
	(tag) =	ssettag s2;
	_ =	strace s9  }
0x27: {  	s1 =	sld [smem:$0x3FAB]  }
0x28: {  	s2 =	sld [smem:$0x3FAC]  }
0x29: {  	s4 =	sld [smem:$0x3FAE]  }
0x2a: {  	p0 =	seq.s32 s5, $0x0;
	s5 =	sld [smem:$0x3FAF]  }
0x2b: {  	s6 =	sld [smem:$0x3FB0]  }
0x2c: {  	s7 =	sld [smem:$0x3FB1]  }
0x2d: {  	s3 =	simm.s32 $0x108;
	s8 =	sld [smem:$0x3FB2]  }
0x2e: {  	s3 =	simm.s32 @!p0 $0x1082;
	s9 =	sld [smem:$0x3FB3]  }
0x2f: {  	lr =	sadd.s32 s0, s3;
	s0 =	sld [smem:$0x3FAA]  }
0x30: {  	s3 =	sld [smem:$0x3FAD]  }
0x31: {  	[smem:$0x3FB6] =	sst s10  }
0x32: {  	s10 =	sld [smem:$0x3FB4];
	_ =	sdelay $0x3  }
0x33: {  	p0 =	seq.s32 s10, $0x1;
	s10 =	sld [smem:$0x3FB6];
	_ =	sdelay $0x3  }
0x34: {  	[smem:$0x3FB6] =	sst s10  }
0x35: {  	s10 =	sld [smem:$0x3FB5];
	_ =	sdelay $0x3  }
0x36: {  	p1 =	seq.s32 s10, $0x1;
	s10 =	sld [smem:$0x3FB6];
	_ =	sdelay $0x3  }
0x37: {  	[smem:$0x3FB6] =	sst s10  }
0x38: {  	s10 =	sld [smem:$0x3FB7]  }
0x39: {  	_ = 	snop;
	(pc) =	sbr.ind lr, $3  }
0x3a: {  	_ = 	snop  }
0x3b: {  	_ = 	snop  }
0x3c: {  	p2 =	seq.s32 s10, $0x1;
	s10 =	sld [smem:$0x3FB6]  }
0x3d: {  	_ =	shalt  }
0x3e: {  	_ =	shalt  }
0x3f: {  	_ =	shalt  }
0x40: {  	_ =	shalt  }
0x41: {  	_ =	shalt  }
0x42: {  	_ =	shalt  }
0x43: {  	_ =	shalt  }
0x44: {  	_ =	shalt  }
0x45: {  	_ =	shalt  }
0x46: {  	_ =	shalt  }
0x47: {  	_ =	shalt  }
0x48: {  	_ =	shalt  }
0x49: {  	_ =	shalt  }
0x4a: {  	_ =	shalt  }
0x4b: {  	_ =	shalt  }
0x4c: {  	_ =	shalt  }
0x4d: {  	_ =	shalt  }
0x4e: {  	_ =	shalt  }
0x4f: {  	_ =	shalt  }
0x50: {  	_ =	shalt  }
0x51: {  	_ =	shalt  }
0x52: {  	_ =	shalt  }
0x53: {  	_ =	shalt  }
0x54: {  	_ =	shalt  }
0x55: {  	_ =	shalt  }
0x56: {  	_ =	shalt  }
0x57: {  	_ =	shalt  }
0x58: {  	_ =	shalt  }
0x59: {  	_ =	shalt  }
0x5a: {  	_ =	shalt  }
0x5b: {  	_ =	shalt  }
0x5c: {  	_ =	shalt  }
0x5d: {  	_ =	shalt  }
0x5e: {  	_ =	shalt  }
0x5f: {  	_ =	shalt  }
0x60: {  	_ =	shalt  }
0x61: {  	_ =	shalt  }
0x62: {  	_ =	shalt  }
0x63: {  	_ =	shalt  }
0x64: {  	_ =	shalt  }
0x65: {  	_ =	shalt  }
0x66: {  	_ =	shalt  }
0x67: {  	_ =	shalt  }
0x68: {  	_ =	shalt  }
0x69: {  	_ =	shalt  }
0x6a: {  	_ =	shalt  }
0x6b: {  	_ =	shalt  }
0x6c: {  	_ =	shalt  }
0x6d: {  	_ =	shalt  }
0x6e: {  	_ =	shalt  }
0x6f: {  	_ =	shalt  }
0x70: {  	_ =	shalt  }
0x71: {  	_ =	shalt  }
0x72: {  	_ =	shalt  }
0x73: {  	_ =	shalt  }
0x74: {  	_ =	shalt  }
0x75: {  	_ =	shalt  }
0x76: {  	_ =	shalt  }
0x77: {  	_ =	shalt  }
0x78: {  	_ =	shalt  }
0x79: {  	_ =	shalt  }
0x7a: {  	_ =	shalt  }
0x7b: {  	_ =	shalt  }
0x7c: {  	_ =	shalt  }
0x7d: {  	_ =	shalt  }
0x7e: {  	_ =	shalt  }
0x7f: {  	_ =	shalt  }
0x80: {  	_ =	shalt  }
0x81: {  	_ =	shalt  }
0x82: {  	_ =	shalt  }
0x83: {  	_ =	shalt  }
0x84: {  	_ =	shalt  }
0x85: {  	_ =	shalt  }
0x86: {  	_ =	shalt  }
0x87: {  	_ =	shalt  }
.Lfunc_end0:
.L_simem_size_0:
called_computation.1_lowered:
.L_overlay_start_0:
0x88: {  	s2 =	sld [smem:$0x3FD9]  }
0x89: {  	s3 =	sld [smem:$0x3FFE];
	_ =	sdelay $0x1  }
0x8a: {  	s1 =	srdreg.scid  }
0x8b: {  	s0 =	sand.u32 $0x1, s1  }
0x8c: {  	s16 =	sshll.u32 s0, $0xA;
	s2 =	sadd.s32 s3, s2  }
0x8d: {  	s2 =	sadd.s32 s2, s16  }
0x8e: {  	[smem:$0x3FC2] =	sst s2  }
0x8f: {  	_ = 	snop  }
0x90: {  	(tm) =	ssettm $0x1  }
0x91: {  	s17 =	sld [smem:$0x3FFB];
	_ =	sdelay $0x3  }
0x92: {  	_ =	strace s17  }
0x93: {  	s2 =	sld [smem:$0x3FFC];
	_ =	sdelay $0x3  }
0x94: {  	_ =	strace s2  }
0x95: {  	s2 =	sld [smem:$0x3FFD];
	_ =	sdelay $0x3  }
0x96: {  	_ =	strace s2  }
0x97: {  	_ =	strace $0x8FFFFFFF  }
0x98: {  	s18 =	sld [smem:$0x3FDB];
	_ =	sdelay $0x1  }
0x99: {  	s19 =	simm.s32 $_scs_section_size  }
0x9a: {  	s4 =	simm.s32 $_size__tile_overlayer_lowered;
	s5 =	simm.s32 $_tile_overlayer_lowered  }
0x9b: {  	s22 =	simm.s32 $0x1BFF;
	s21 =	sshll.u32 s5, $0x1;
	s2 =	sadd.s32 s19, s18  }
0x9c: {  	s6 =	simm.s32 $0x0;
	s20 =	sshll.u32 s4, $0x1;
	s4 =	sadd.s32 s21, s2  }
0x9d: {  	[timem:s6], [sflag:s22] =	dma.local [hbm:s4], s20  }
0x9e: {  	_ =	swait.ge [sflag:s22], s20  }
0x9f: {  	s3 =	ssub.s32 $0x0, s20;
	[sflag:s22] =	ssyncset.done $0x0  }
0xa0: {  	[sflag:s22] =	ssyncadd.s32 s3;
	_ =	sdelay $0x1  }
0xa1: {  	s23 =	simm.s32 $0x1B8B  }
0xa2: {  	_ =	swait.ge [sflag:s23], $0x1  }
0xa3: {  	[sflag:s23] =	ssyncset.done $0x0  }
0xa4: {  	s25 =	simm.s32 $0x1B8E;
	s24 =	sld [smem:$0x3FFE];
	[sflag:s23] =	ssyncadd.s32 $0xFFFFFFFF  }
0xa5: {  	s26 =	simm.s32 $execute0_lowered;
	[smem:$0x3FD2] =	sst s25  }
0xa6: {  	s4 =	sshll.u32 s26, $0x1;
	_ =	strace $0x80000049;
	[dreg:$0x1] =	wrdreg $0xFFFFFFFF  }
0xa7: {  	s28 =	simm.s32 $_size_execute0_lowered;
	s2 =	sadd.s32 s2, s4;
	[dreg:$0x0] =	wrdreg $0x0  }
0xa8: {  	s4 =	sshll.u32 s28, $0x1;
	[dreg:$0x2] =	wrdreg s2  }
0xa9: {  	[dreg:$0x3] =	wrdreg s4  }
0xaa: {  	[dreg:$0x4] =	wrdreg $0xC0  }
0xab: {  	_ =	task [dreg:s6], $0x5FFFF  }
0xac: {  	[dreg:$0x1] =	wrdreg $0xFFFFFFFF  }
0xad: {  	[dreg:$0x0] =	wrdreg $0x60  }
0xae: {  	[dreg:$0x2] =	wrdreg s24  }
0xaf: {  	[dreg:$0x3] =	wrdreg $0xA4000  }
0xb0: {  	[dreg:$0x4] =	wrdreg $0x9  }
0xb1: {  	_ =	task.clear_ibuf [dreg:s6], $0x5FFFF;
	_ =	strace $0x90000049  }
0xb2: {  	s29 =	simm.s32 $0x9;
	_ =	strace $0x8000004B  }
0xb3: {  	_ =	swait.ge [sflag:s29], $0x1  }
0xb4: {  	[sflag:s29] =	ssyncadd.s32 $0xFFFFFFFF  }
0xb5: {  	_ =	strace $0x9000004B  }
0xb6: {  	_ =	sfence  }
0xb7: {  	s30 =	sld [smem:$0x0];
	_ =	sdelay $0x2  }
0xb8: {  	s31 =	sshll.u32 s1, $0xD;
	s1 =	sshrl.u32 s1, $0x2  }
0xb9: {  	s3 =	sand.u32 $0x4000, s31;
	s1 =	sadd.s32 s1, s30  }
0xba: {  	s0 =	sor.u32 s3, s0;
	s1 =	sshll.u32 s1, $0x11  }
0xbb: {  	s0 =	sor.u32 s1, s0  }
0xbc: {  	s0 =	sadd.s32 $0x8F2B, s0  }
0xbd: {  	[sflag:s0] =	ssyncadd.remote.s32 $0x1  }
0xbe: {  	_ =	sfence.sel $0xFFFF  }
0xbf: {  	[dreg:$0x0] =	wrdreg $0xFFFFFFFF;
	(pc) =	sbr.abs _section_cstart, $3  }
0xc0: {  	[dreg:$0x1] =	wrdreg $0xFFFFFFFF  }
0xc1: {  	_ =	task.clear_ibuf [dreg:s6], $0x2FFFF;
	_ =	strace $0x9FFFFFFF  }
0xc2: {  	(tm) =	ssettm $0x7FFFFFFF  }
0xc3: {  	_ =	shalt  }
tec
execute0_lowered:
.L_overlay_start_1:
0x0: {  	(tag) =	ssettag $0x1  }
0x1: {  	s0 =	rddreg [dreg:$0x0]  }
0x2: {  	s2 =	rddreg [dreg:$0x1];
	s3 =	simm.s32 $0x0;
	s13 =	stileid.u32  }
0x3: {  	s1 =	srdreg.scid;
	s28 =	simm.s32 $0x2C00;
	s29 =	simm.s32 $0x5400  }
0x4: {  	s30 =	simm.s32 $0x7C00;
	s31 =	simm.s32 $0x2;
	[smem:$0x7FF] =	sst s3  }
0x5: {  	s5 =	smul.u32 $0x14000, s13;
	s1 =	sand.u32 $0x1, s1;
	s6 =	sadd.s32 $0xB400, s0  }
0x6: {  	s8 =	sadd.s32 $0x1600, s0;
	s4 =	sadd.s32 $0x15200, s0;
	s14 =	smul.u32 $0x50000, s13  }
0x7: {  	s12 =	smul.u32 $0x2710, s13;
	s17 =	sshll.u32 s13, $0x6;
	_ =	strace $0x8000004A  }
0x8: {  	s7 =	smul.u32 $0x140000, s1;
	s10 =	sshll.u32 s1, $0x4;
	s15 =	ssub.s32 $0x2, s1  }
0x9: {  	s1 =	smul.u32 $0x27100, s1;
	s9 =	sshrl.u32 s5, $0x3;
	s10 =	sor.u32 s13, s10  }
0xa: {  	s11 =	sshrl.u32 s15, $0x1;
	s5 =	sadd.s32 s5, s7;
	s9 =	sadd.s32 s9, s0  }
0xb: {  	s10 =	smul.u32 $0x2710, s10;
	s7 =	sshrl.u32 s14, $0x2;
	s1 =	sadd.s32 s12, s1  }
0xc: {  	s5 =	sshrl.u32 s5, $0x3;
	s7 =	sadd.s32 s7, s2;
	s16 =	sadd.s32 $0x3D200, s9  }
0xd: {  	s19 =	sshrl.u32 s1, $0x3;
	s12 =	sadd.s32 $0xF0, s1;
	s25 =	sadd.s32 $0xA0, s1  }
0xe: {  	s1 =	sadd.s32 $0x50, s1;
	s0 =	sadd.s32 s5, s0;
	[dreg:$0x7] =	wrdreg s7  }
0xf: {  	s5 =	ssub.s32 s15, s11;
	[dreg:$0x8] =	wrdreg s16;
	s18 =	sshrl.u32 s10, $0x3  }
0x10: {  	s7 =	sor.u32 $0x1C04, s17;
	s21 =	sadd.s32 s19, s8;
	s10 =	sadd.s32 s19, s6  }
0x11: {  	s12 =	sshrl.u32 s12, $0x3;
	s26 =	sshrl.u32 s25, $0x3;
	s1 =	sshrl.u32 s1, $0x3  }
0x12: {  	s16 =	simm.s32 $0x4;
	s17 =	simm.s32 $0x200;
	s19 =	simm.s32 $0x280  }
0x13: {  	s25 =	simm.s32 $0x50;
	s9 =	sadd.s32 $0x4D8, s18;
	[dreg:$0x3] =	wrdreg s21  }
0x14: {  	[dreg:$0x4] =	wrdreg s10;
	s22 =	sadd.s32 s12, s8;
	s0 =	sadd.s32 $0x65200, s0  }
0x15: {  	s23 =	smax.u32 s5, $0x1;
	s24 =	sadd.s32 s12, s6;
	s12 =	sadd.s32 s26, s8  }
0x16: {  	s13 =	sadd.s32 s26, s6;
	s14 =	sadd.s32 s1, s8;
	[dreg:$0x9] =	wrdreg s7  }
0x17: {  	s15 =	sadd.s32 s1, s6;
	s18 =	simm.s32 $0x80;
	[dreg:$0xc] =	wrdreg s0  }
0x18: {  	s21 =	simm.s32 $0x300;
	s26 =	simm.s32 $0x400;
	[dreg:$0xd] =	wrdreg s23  }
0x19: {  	s1 =	simm.s32 $0x0;
	s20 =	sadd.s32 s6, s9;
	[dreg:$0x5] =	wrdreg s22  }
0x1a: {  	s9 =	sadd.s32 s8, s9;
	[dreg:$0x6] =	wrdreg s24;
	s22 =	simm.s32 $0x180  }
0x1b: {  	s23 =	simm.s32 $0x380;
	s24 =	simm.s32 $0x1;
	[dreg:$0xa] =	wrdreg s20  }
0x1c: {  	s0 =	simm.s32 $0x3;
	[dreg:$0xb] =	wrdreg s9;
	s20 =	simm.s32 $0x100  }
.LBB2_1:
0x1d: {  	s5 =	rddreg [dreg:$0x7]  }
0x1e: {  	s6 =	rddreg [dreg:$0x8];
	s5 =	sshrl.u32 s5, $0x3  }
0x1f: {  	[spmem:s5], [sflag:s7] =	dma.local [hbm:s6], $0x2800  }
0x20: {  	_ =	swait.ge [sflag:s16], $0x2800  }
0x21: {  	[sflag:s16] =	ssyncset.done $0x0  }
0x22: {  	[sflag:s16] =	ssyncadd.s32 $0xFFFFD800  }
0x23: {  	[bflag:$0x0] =	sbarrier.arrive $0xFFFF  }
0x24: {  	s11 =	rddreg [dreg:$0x4]  }
0x25: {  	s8 =	rddreg [dreg:$0x3];
	s6 =	sadd.s32 $0x0, s11  }
0x26: {  	[tilespmem:s3], [sflag:$0x1] =	stream.linear.gather [hbm4b:s6+s3], $0x50, $0x38;
	[tilespmem:$0x1E400] =	vst v63  }
0x27: {  	s7 =	sadd.s32 $0x0, s8  }
0x28: {  	[tilespmem:s17], [sflag:$0x1] =	stream.linear.gather [hbm4b:s7+s3], $0x50, $0x38;
	[tilespmem:$0x1E400] =	vst v63  }
0x29: {  	s8 =	sadd.s32 $0x0, s15  }
0x2a: {  	[tilespmem:s18], [sflag:$0x1] =	stream.linear.gather [hbm4b:s8+s3], $0x50, $0x38;
	[tilespmem:$0x1E400] =	vst v63  }
0x2b: {  	s9 =	sadd.s32 $0x0, s14  }
0x2c: {  	[tilespmem:s19], [sflag:$0x1] =	stream.linear.gather [hbm4b:s9+s3], $0x50, $0x38;
	[tilespmem:$0x1E400] =	vst v63  }
0x2d: {  	s10 =	sadd.s32 $0x0, s13  }
0x2e: {  	[tilespmem:s20], [sflag:$0x1] =	stream.linear.gather [hbm4b:s10+s3], $0x50, $0x38;
	[tilespmem:$0x1E400] =	vst v63  }
0x2f: {  	s11 =	rddreg [dreg:$0x6];
	s7 =	sadd.s32 $0x0, s12  }
0x30: {  	[tilespmem:s21], [sflag:$0x1] =	stream.linear.gather [hbm4b:s7+s3], $0x50, $0x38;
	[tilespmem:$0x1E400] =	vst v63  }
0x31: {  	s9 =	rddreg [dreg:$0x5];
	s10 =	sadd.s32 $0x0, s11  }
0x32: {  	[tilespmem:s22], [sflag:$0x1] =	stream.linear.gather [hbm4b:s10+s3], $0x50, $0x38;
	[tilespmem:$0x1E400] =	vst v63  }
0x33: {  	s11 =	sadd.s32 $0x0, s9  }
0x34: {  	[tilespmem:s23], [sflag:$0x1] =	stream.linear.gather [hbm4b:s11+s3], $0x50, $0x38;
	[tilespmem:$0x1E400] =	vst v63  }
0x35: {  	_ =	swait.ge [sflag:s24], $0x50  }
0x36: {  	[sflag:s24] =	ssyncset.done $0x0  }
0x37: {  	[sflag:s24] =	ssyncadd.s32 $0xFFFFFFB0  }
0x38: {  	_ =	swait.ge [sflag:s24], $0x50  }
0x39: {  	[sflag:s24] =	ssyncset.done $0x0  }
0x3a: {  	[sflag:s24] =	ssyncadd.s32 $0xFFFFFFB0  }
0x3b: {  	[tilespmem:s26], [sflag:$0x2] =	stream.indirect.gather [hbm4b:s4+s25], $0x80, s3, s25, $0xb8;
	[tilespmem:$0x1E400] =	vst v63  }
0x3c: {  	_ =	swait.ge [sflag:s24], $0x50  }
0x3d: {  	[sflag:s24] =	ssyncset.done $0x0  }
0x3e: {  	[sflag:s24] =	ssyncadd.s32 $0xFFFFFFB0  }
0x3f: {  	_ =	swait.ge [sflag:s24], $0x50  }
0x40: {  	[sflag:s24] =	ssyncset.done $0x0  }
0x41: {  	[sflag:s24] =	ssyncadd.s32 $0xFFFFFFB0  }
0x42: {  	[tilespmem:s28], [sflag:$0x2] =	stream.indirect.gather [hbm4b:s4+s25], $0x80, s18, s25, $0xb8;
	[tilespmem:$0x1E400] =	vst v63  }
0x43: {  	_ =	swait.ge [sflag:s24], $0x50  }
0x44: {  	[sflag:s24] =	ssyncset.done $0x0  }
0x45: {  	[sflag:s24] =	ssyncadd.s32 $0xFFFFFFB0  }
0x46: {  	_ =	swait.ge [sflag:s24], $0x50  }
0x47: {  	[sflag:s24] =	ssyncset.done $0x0  }
0x48: {  	[sflag:s24] =	ssyncadd.s32 $0xFFFFFFB0  }
0x49: {  	[tilespmem:s29], [sflag:$0x2] =	stream.indirect.gather [hbm4b:s4+s25], $0x80, s20, s25, $0xb8;
	[tilespmem:$0x1E400] =	vst v63  }
0x4a: {  	_ =	swait.ge [sflag:s24], $0x50  }
0x4b: {  	[sflag:s24] =	ssyncset.done $0x0  }
0x4c: {  	[sflag:s24] =	ssyncadd.s32 $0xFFFFFFB0  }
0x4d: {  	_ =	swait.ge [sflag:s24], $0x50  }
0x4e: {  	[sflag:s24] =	ssyncset.done $0x0  }
0x4f: {  	[sflag:s24] =	ssyncadd.s32 $0xFFFFFFB0  }
0x50: {  	[tilespmem:s30], [sflag:$0x2] =	stream.indirect.gather [hbm4b:s4+s25], $0x80, s22, s25, $0xb8;
	[tilespmem:$0x1E400] =	vst v63  }
0x51: {  	_ =	swait.ge [sflag:s31], $0x2800  }
0x52: {  	[sflag:s31] =	ssyncset.done $0x0  }
0x53: {  	[sflag:s31] =	ssyncadd.s32 $0xFFFFD800  }
0x54: {  	[spmem:s2] =	stream.indirect.scatter.add.f32 [tilespmem:s26], [sflag:$0x3], $0x80, s17, s25, $0xb8;
	[tilespmem:$0x1E400] =	vst v63  }
0x55: {  	_ =	swait.ge [sflag:s31], $0x2800  }
0x56: {  	[sflag:s31] =	ssyncset.done $0x0  }
0x57: {  	[sflag:s31] =	ssyncadd.s32 $0xFFFFD800  }
0x58: {  	[spmem:s2] =	stream.indirect.scatter.add.f32 [tilespmem:s28], [sflag:$0x3], $0x80, s19, s25, $0xb8;
	[tilespmem:$0x1E400] =	vst v63  }
0x59: {  	_ =	swait.ge [sflag:s31], $0x2800  }
0x5a: {  	[sflag:s31] =	ssyncset.done $0x0  }
0x5b: {  	[sflag:s31] =	ssyncadd.s32 $0xFFFFD800  }
0x5c: {  	[spmem:s2] =	stream.indirect.scatter.add.f32 [tilespmem:s29], [sflag:$0x3], $0x80, s21, s25, $0xb8;
	[tilespmem:$0x1E400] =	vst v63  }
0x5d: {  	_ =	swait.ge [sflag:s31], $0x2800  }
0x5e: {  	[sflag:s31] =	ssyncset.done $0x0  }
0x5f: {  	[sflag:s31] =	ssyncadd.s32 $0xFFFFD800  }
0x60: {  	[spmem:s2] =	stream.indirect.scatter.add.f32 [tilespmem:s30], [sflag:$0x3], $0x80, s23, s25, $0xb8;
	[tilespmem:$0x1E400] =	vst v63  }
0x61: {  	_ =	swait.ge [sflag:s0], $0x2800  }
0x62: {  	[sflag:s0] =	ssyncset.done $0x0  }
0x63: {  	[sflag:s0] =	ssyncadd.s32 $0xFFFFD800  }
0x64: {  	_ =	swait.ge [sflag:s0], $0x2800  }
0x65: {  	[sflag:s0] =	ssyncset.done $0x0  }
0x66: {  	[sflag:s0] =	ssyncadd.s32 $0xFFFFD800  }
0x67: {  	_ =	swait.ge [sflag:s0], $0x2800  }
0x68: {  	[sflag:s0] =	ssyncset.done $0x0  }
0x69: {  	[sflag:s0] =	ssyncadd.s32 $0xFFFFD800  }
0x6a: {  	s6 =	simm.s32 $0x28;
	_ =	swait.ge [sflag:s0], $0x2800  }
0x6b: {  	s8 =	simm.s32 $0x50;
	s9 =	rddreg [dreg:$0x4];
	[sflag:s0] =	ssyncset.done $0x0  }
.LBB2_2:
0x6c: {  	[sflag:s0] =	ssyncadd.s32 $0xFFFFD800;
	s11 =	rddreg [dreg:$0x3];
	s9 =	sadd.s32 s6, s9  }
0x6d: {  	[tilespmem:s3], [sflag:$0x1] =	stream.linear.gather [hbm4b:s9+s3], $0x50, $0x38;
	[tilespmem:$0x1E400] =	vst v63  }
0x6e: {  	s11 =	sadd.s32 s6, s11  }
0x6f: {  	[tilespmem:s17], [sflag:$0x1] =	stream.linear.gather [hbm4b:s11+s3], $0x50, $0x38;
	[tilespmem:$0x1E400] =	vst v63  }
0x70: {  	s7 =	sadd.s32 s6, s15  }
0x71: {  	[tilespmem:s18], [sflag:$0x1] =	stream.linear.gather [hbm4b:s7+s3], $0x50, $0x38;
	[tilespmem:$0x1E400] =	vst v63  }
0x72: {  	s11 =	sadd.s32 s6, s14  }
0x73: {  	[tilespmem:s19], [sflag:$0x1] =	stream.linear.gather [hbm4b:s11+s3], $0x50, $0x38;
	[tilespmem:$0x1E400] =	vst v63  }
0x74: {  	s7 =	sadd.s32 s6, s13  }
0x75: {  	[tilespmem:s20], [sflag:$0x1] =	stream.linear.gather [hbm4b:s7+s3], $0x50, $0x38;
	[tilespmem:$0x1E400] =	vst v63  }
0x76: {  	s9 =	sadd.s32 s6, s12;
	s11 =	rddreg [dreg:$0x6]  }
0x77: {  	[tilespmem:s21], [sflag:$0x1] =	stream.linear.gather [hbm4b:s9+s3], $0x50, $0x38;
	[tilespmem:$0x1E400] =	vst v63  }
0x78: {  	s11 =	sadd.s32 s6, s11;
	s7 =	rddreg [dreg:$0x5]  }
0x79: {  	[tilespmem:s22], [sflag:$0x1] =	stream.linear.gather [hbm4b:s11+s3], $0x50, $0x38;
	[tilespmem:$0x1E400] =	vst v63  }
0x7a: {  	s7 =	sadd.s32 s6, s7  }
0x7b: {  	[tilespmem:s23], [sflag:$0x1] =	stream.linear.gather [hbm4b:s7+s3], $0x50, $0x38;
	[tilespmem:$0x1E400] =	vst v63  }
0x7c: {  	_ =	swait.ge [sflag:s24], $0x50  }
0x7d: {  	[sflag:s24] =	ssyncset.done $0x0  }
0x7e: {  	[sflag:s24] =	ssyncadd.s32 $0xFFFFFFB0  }
0x7f: {  	_ =	swait.ge [sflag:s24], $0x50  }
0x80: {  	[sflag:s24] =	ssyncset.done $0x0  }
0x81: {  	[sflag:s24] =	ssyncadd.s32 $0xFFFFFFB0  }
0x82: {  	[tilespmem:s26], [sflag:$0x2] =	stream.indirect.gather [hbm4b:s4+s25], $0x80, s3, s25, $0xb8;
	[tilespmem:$0x1E400] =	vst v63  }
0x83: {  	_ =	swait.ge [sflag:s24], $0x50  }
0x84: {  	[sflag:s24] =	ssyncset.done $0x0  }
0x85: {  	[sflag:s24] =	ssyncadd.s32 $0xFFFFFFB0  }
0x86: {  	_ =	swait.ge [sflag:s24], $0x50  }
0x87: {  	[sflag:s24] =	ssyncset.done $0x0  }
0x88: {  	[sflag:s24] =	ssyncadd.s32 $0xFFFFFFB0  }
0x89: {  	[tilespmem:s28], [sflag:$0x2] =	stream.indirect.gather [hbm4b:s4+s25], $0x80, s18, s25, $0xb8;
	[tilespmem:$0x1E400] =	vst v63  }
0x8a: {  	_ =	swait.ge [sflag:s24], $0x50  }
0x8b: {  	[sflag:s24] =	ssyncset.done $0x0  }
0x8c: {  	[sflag:s24] =	ssyncadd.s32 $0xFFFFFFB0  }
0x8d: {  	_ =	swait.ge [sflag:s24], $0x50  }
0x8e: {  	[sflag:s24] =	ssyncset.done $0x0  }
0x8f: {  	[sflag:s24] =	ssyncadd.s32 $0xFFFFFFB0  }
0x90: {  	[tilespmem:s29], [sflag:$0x2] =	stream.indirect.gather [hbm4b:s4+s25], $0x80, s20, s25, $0xb8;
	[tilespmem:$0x1E400] =	vst v63  }
0x91: {  	_ =	swait.ge [sflag:s24], $0x50  }
0x92: {  	[sflag:s24] =	ssyncset.done $0x0  }
0x93: {  	[sflag:s24] =	ssyncadd.s32 $0xFFFFFFB0  }
0x94: {  	_ =	swait.ge [sflag:s24], $0x50  }
0x95: {  	[sflag:s24] =	ssyncset.done $0x0  }
0x96: {  	[sflag:s24] =	ssyncadd.s32 $0xFFFFFFB0  }
0x97: {  	[tilespmem:s30], [sflag:$0x2] =	stream.indirect.gather [hbm4b:s4+s25], $0x80, s22, s25, $0xb8;
	[tilespmem:$0x1E400] =	vst v63  }
0x98: {  	_ =	swait.ge [sflag:s31], $0x2800  }
0x99: {  	[sflag:s31] =	ssyncset.done $0x0  }
0x9a: {  	[sflag:s31] =	ssyncadd.s32 $0xFFFFD800  }
0x9b: {  	[spmem:s2] =	stream.indirect.scatter.add.f32 [tilespmem:s26], [sflag:$0x3], $0x80, s17, s25, $0xb8;
	[tilespmem:$0x1E400] =	vst v63  }
0x9c: {  	_ =	swait.ge [sflag:s31], $0x2800  }
0x9d: {  	[sflag:s31] =	ssyncset.done $0x0  }
0x9e: {  	[sflag:s31] =	ssyncadd.s32 $0xFFFFD800  }
0x9f: {  	[spmem:s2] =	stream.indirect.scatter.add.f32 [tilespmem:s28], [sflag:$0x3], $0x80, s19, s25, $0xb8;
	[tilespmem:$0x1E400] =	vst v63  }
0xa0: {  	_ =	swait.ge [sflag:s31], $0x2800  }
0xa1: {  	[sflag:s31] =	ssyncset.done $0x0  }
0xa2: {  	[sflag:s31] =	ssyncadd.s32 $0xFFFFD800  }
0xa3: {  	[spmem:s2] =	stream.indirect.scatter.add.f32 [tilespmem:s29], [sflag:$0x3], $0x80, s21, s25, $0xb8;
	[tilespmem:$0x1E400] =	vst v63  }
0xa4: {  	_ =	swait.ge [sflag:s31], $0x2800  }
0xa5: {  	[sflag:s31] =	ssyncset.done $0x0  }
0xa6: {  	[sflag:s31] =	ssyncadd.s32 $0xFFFFD800  }
0xa7: {  	[spmem:s2] =	stream.indirect.scatter.add.f32 [tilespmem:s30], [sflag:$0x3], $0x80, s23, s25, $0xb8;
	[tilespmem:$0x1E400] =	vst v63  }
0xa8: {  	_ =	swait.ge [sflag:s0], $0x2800  }
0xa9: {  	[sflag:s0] =	ssyncset.done $0x0  }
0xaa: {  	[sflag:s0] =	ssyncadd.s32 $0xFFFFD800  }
0xab: {  	_ =	swait.ge [sflag:s0], $0x2800  }
0xac: {  	[sflag:s0] =	ssyncset.done $0x0  }
0xad: {  	p0 =	sne.s32 s8, $0x4B0;
	[sflag:s0] =	ssyncadd.s32 $0xFFFFD800  }
.Ltmp0:
0xae: {  	_ =	swait.ge [sflag:s0], $0x2800;
	(pc) =	sbr.rel @p0 .LBB2_2-.Ltmp0, $4  }
0xaf: {  	[sflag:s0] =	ssyncset.done $0x0  }
0xb0: {  	[sflag:s0] =	ssyncadd.s32 $0xFFFFD800  }
0xb1: {  	s10 =	smov.u32 s8;
	s8 =	sadd.s32 $0x28, s8;
	_ =	swait.ge [sflag:s0], $0x2800  }
0xb2: {  	s6 =	smov.u32 s10;
	s9 =	rddreg [dreg:$0x4];
	[sflag:s0] =	ssyncset.done $0x0  }
0xb3: {  	s7 =	rddreg [dreg:$0x3];
	[sflag:s0] =	ssyncadd.s32 $0xFFFFD800;
	s8 =	sadd.s32 s6, s9  }
0xb4: {  	[tilespmem:s3], [sflag:$0x1] =	stream.linear.gather [hbm4b:s8+s3], $0x50, $0x38;
	[tilespmem:$0x1E400] =	vst v63  }
0xb5: {  	s7 =	sadd.s32 s6, s7  }
0xb6: {  	[tilespmem:s17], [sflag:$0x1] =	stream.linear.gather [hbm4b:s7+s3], $0x50, $0x38;
	[tilespmem:$0x1E400] =	vst v63  }
0xb7: {  	s10 =	sadd.s32 s6, s15  }
0xb8: {  	[tilespmem:s18], [sflag:$0x1] =	stream.linear.gather [hbm4b:s10+s3], $0x50, $0x38;
	[tilespmem:$0x1E400] =	vst v63  }
0xb9: {  	s11 =	sadd.s32 s6, s14  }
0xba: {  	[tilespmem:s19], [sflag:$0x1] =	stream.linear.gather [hbm4b:s11+s3], $0x50, $0x38;
	[tilespmem:$0x1E400] =	vst v63  }
0xbb: {  	s8 =	sadd.s32 s6, s13  }
0xbc: {  	[tilespmem:s20], [sflag:$0x1] =	stream.linear.gather [hbm4b:s8+s3], $0x50, $0x38;
	[tilespmem:$0x1E400] =	vst v63  }
0xbd: {  	s9 =	rddreg [dreg:$0x6];
	s10 =	sadd.s32 s6, s12  }
0xbe: {  	[tilespmem:s21], [sflag:$0x1] =	stream.linear.gather [hbm4b:s10+s3], $0x50, $0x38;
	[tilespmem:$0x1E400] =	vst v63  }
0xbf: {  	s7 =	sadd.s32 s6, s9;
	s11 =	rddreg [dreg:$0x5]  }
0xc0: {  	[tilespmem:s22], [sflag:$0x1] =	stream.linear.gather [hbm4b:s7+s3], $0x50, $0x38;
	[tilespmem:$0x1E400] =	vst v63  }
0xc1: {  	s7 =	sadd.s32 s6, s11  }
0xc2: {  	[tilespmem:s23], [sflag:$0x1] =	stream.linear.gather [hbm4b:s7+s3], $0x50, $0x38;
	[tilespmem:$0x1E400] =	vst v63  }
0xc3: {  	_ =	swait.ge [sflag:s24], $0x50  }
0xc4: {  	[sflag:s24] =	ssyncset.done $0x0  }
0xc5: {  	[sflag:s24] =	ssyncadd.s32 $0xFFFFFFB0  }
0xc6: {  	_ =	swait.ge [sflag:s24], $0x50  }
0xc7: {  	[sflag:s24] =	ssyncset.done $0x0  }
0xc8: {  	[sflag:s24] =	ssyncadd.s32 $0xFFFFFFB0  }
0xc9: {  	[tilespmem:s26], [sflag:$0x2] =	stream.indirect.gather [hbm4b:s4+s25], $0x80, s3, s25, $0xb8;
	[tilespmem:$0x1E400] =	vst v63  }
0xca: {  	_ =	swait.ge [sflag:s24], $0x50  }
0xcb: {  	[sflag:s24] =	ssyncset.done $0x0  }
0xcc: {  	[sflag:s24] =	ssyncadd.s32 $0xFFFFFFB0  }
0xcd: {  	_ =	swait.ge [sflag:s24], $0x50  }
0xce: {  	[sflag:s24] =	ssyncset.done $0x0  }
0xcf: {  	[sflag:s24] =	ssyncadd.s32 $0xFFFFFFB0  }
0xd0: {  	[tilespmem:s28], [sflag:$0x2] =	stream.indirect.gather [hbm4b:s4+s25], $0x80, s18, s25, $0xb8;
	[tilespmem:$0x1E400] =	vst v63  }
0xd1: {  	_ =	swait.ge [sflag:s24], $0x50  }
0xd2: {  	[sflag:s24] =	ssyncset.done $0x0  }
0xd3: {  	[sflag:s24] =	ssyncadd.s32 $0xFFFFFFB0  }
0xd4: {  	_ =	swait.ge [sflag:s24], $0x50  }
0xd5: {  	[sflag:s24] =	ssyncset.done $0x0  }
0xd6: {  	[sflag:s24] =	ssyncadd.s32 $0xFFFFFFB0  }
0xd7: {  	[tilespmem:s29], [sflag:$0x2] =	stream.indirect.gather [hbm4b:s4+s25], $0x80, s20, s25, $0xb8;
	[tilespmem:$0x1E400] =	vst v63  }
0xd8: {  	_ =	swait.ge [sflag:s24], $0x50  }
0xd9: {  	[sflag:s24] =	ssyncset.done $0x0  }
0xda: {  	[sflag:s24] =	ssyncadd.s32 $0xFFFFFFB0  }
0xdb: {  	_ =	swait.ge [sflag:s24], $0x50  }
0xdc: {  	[sflag:s24] =	ssyncset.done $0x0  }
0xdd: {  	[sflag:s24] =	ssyncadd.s32 $0xFFFFFFB0  }
0xde: {  	[tilespmem:s30], [sflag:$0x2] =	stream.indirect.gather [hbm4b:s4+s25], $0x80, s22, s25, $0xb8;
	[tilespmem:$0x1E400] =	vst v63  }
0xdf: {  	_ =	swait.ge [sflag:s31], $0x2800  }
0xe0: {  	[sflag:s31] =	ssyncset.done $0x0  }
0xe1: {  	[sflag:s31] =	ssyncadd.s32 $0xFFFFD800  }
0xe2: {  	[spmem:s2] =	stream.indirect.scatter.add.f32 [tilespmem:s26], [sflag:$0x3], $0x80, s17, s25, $0xb8;
	[tilespmem:$0x1E400] =	vst v63  }
0xe3: {  	_ =	swait.ge [sflag:s31], $0x2800  }
0xe4: {  	[sflag:s31] =	ssyncset.done $0x0  }
0xe5: {  	[sflag:s31] =	ssyncadd.s32 $0xFFFFD800  }
0xe6: {  	[spmem:s2] =	stream.indirect.scatter.add.f32 [tilespmem:s28], [sflag:$0x3], $0x80, s19, s25, $0xb8;
	[tilespmem:$0x1E400] =	vst v63  }
0xe7: {  	_ =	swait.ge [sflag:s31], $0x2800  }
0xe8: {  	[sflag:s31] =	ssyncset.done $0x0  }
0xe9: {  	[sflag:s31] =	ssyncadd.s32 $0xFFFFD800  }
0xea: {  	[spmem:s2] =	stream.indirect.scatter.add.f32 [tilespmem:s29], [sflag:$0x3], $0x80, s21, s25, $0xb8;
	[tilespmem:$0x1E400] =	vst v63  }
0xeb: {  	_ =	swait.ge [sflag:s31], $0x2800  }
0xec: {  	[sflag:s31] =	ssyncset.done $0x0  }
0xed: {  	[sflag:s31] =	ssyncadd.s32 $0xFFFFD800  }
0xee: {  	[spmem:s2] =	stream.indirect.scatter.add.f32 [tilespmem:s30], [sflag:$0x3], $0x80, s23, s25, $0xb8;
	[tilespmem:$0x1E400] =	vst v63  }
0xef: {  	_ =	swait.ge [sflag:s0], $0x2800  }
0xf0: {  	[sflag:s0] =	ssyncset.done $0x0  }
0xf1: {  	[sflag:s0] =	ssyncadd.s32 $0xFFFFD800  }
0xf2: {  	_ =	swait.ge [sflag:s0], $0x2800  }
0xf3: {  	[sflag:s0] =	ssyncset.done $0x0  }
0xf4: {  	[sflag:s0] =	ssyncadd.s32 $0xFFFFD800  }
0xf5: {  	_ =	swait.ge [sflag:s0], $0x2800  }
0xf6: {  	[sflag:s0] =	ssyncset.done $0x0  }
0xf7: {  	[sflag:s0] =	ssyncadd.s32 $0xFFFFD800  }
0xf8: {  	_ =	swait.ge [sflag:s0], $0x2800  }
0xf9: {  	[sflag:s0] =	ssyncset.done $0x0  }
0xfa: {  	s8 =	rddreg [dreg:$0xa];
	[sflag:s0] =	ssyncadd.s32 $0xFFFFD800  }
0xfb: {  	[tilespmem:s3], [sflag:$0x1] =	stream.linear.gather [hbm4b:s8+s3], $0x50, $0x38;
	[tilespmem:$0x1E400] =	vst v63  }
0xfc: {  	s9 =	rddreg [dreg:$0xb]  }
0xfd: {  	[tilespmem:s17], [sflag:$0x1] =	stream.linear.gather [hbm4b:s9+s3], $0x50, $0x38;
	[tilespmem:$0x1E400] =	vst v63  }
0xfe: {  	_ =	swait.ge [sflag:s24], $0x50  }
0xff: {  	[sflag:s24] =	ssyncset.done $0x0  }
0x100: {  	[sflag:s24] =	ssyncadd.s32 $0xFFFFFFB0  }
0x101: {  	_ =	swait.ge [sflag:s24], $0x50  }
0x102: {  	[sflag:s24] =	ssyncset.done $0x0  }
0x103: {  	[sflag:s24] =	ssyncadd.s32 $0xFFFFFFB0  }
0x104: {  	[tilespmem:s26], [sflag:$0x2] =	stream.indirect.gather [hbm4b:s4+s25], $0x80, s3, s25, $0xb8;
	[tilespmem:$0x1E400] =	vst v63  }
0x105: {  	_ =	swait.ge [sflag:s31], $0x2800  }
0x106: {  	[sflag:s31] =	ssyncset.done $0x0  }
0x107: {  	[sflag:s31] =	ssyncadd.s32 $0xFFFFD800  }
0x108: {  	[spmem:s2] =	stream.indirect.scatter.add.f32 [tilespmem:s26], [sflag:$0x3], $0x80, s17, s25, $0xb8;
	[tilespmem:$0x1E400] =	vst v63  }
0x109: {  	_ =	swait.ge [sflag:s0], $0x2800  }
0x10a: {  	[sflag:s0] =	ssyncset.done $0x0  }
0x10b: {  	[sflag:s0] =	ssyncadd.s32 $0xFFFFD800  }
0x10c: {  	[bflag:$0x0] =	sbarrier.arrive $0xFFFF  }
0x10d: {  	s7 =	rddreg [dreg:$0x9]  }
0x10e: {  	s10 =	rddreg [dreg:$0xc]  }
0x10f: {  	[hbm:s10], [sflag:s7] =	dma.local [spmem:s5], $0x2800  }
0x110: {  	_ =	swait.ge [sflag:s16], $0x2800  }
0x111: {  	s1 =	sadd.s32 $0x1, s1;
	s11 =	rddreg [dreg:$0xd]  }
0x112: {  	p0 =	sne.s32 s1, s11  }
.Ltmp1:
0x113: {  	_ = 	snop;
	(pc) =	sbr.rel @p0 .LBB2_1-.Ltmp1, $3  }
0x114: {  	_ =	sdelay $0x1  }
0x115: {  	[sflag:s16] =	ssyncset.done $0x0  }
0x116: {  	[sflag:s16] =	ssyncadd.s32 $0xFFFFD800  }
0x117: {  	_ =	sfence.sel $0x180000  }
0x118: {  	[bflag:$0x0] =	sbarrier.arrive $0xFFFF  }
0x119: {  	_ =	strace $0x9000004A  }
0x11a: {  	s0 =	stileid.u32;
	[bflag:$0x2] =	sbarrier.arrive $0xFFFF  }
0x11b: {  	p0 =	sne.s32 s0, $0x0;
	s0 =	rddreg [dreg:$0x2]  }
0x11c: {  	s0 =	sadd.s32 @!p0 $0x100000, s0  }
0x11d: {  	[sflag:s0] =	ssyncadd.tile.s32 @!p0 $0x1;
	_ =	shalt  }
.Lfunc_end2:
_tile_overlayer_lowered:
.L_overlay_start_2:
0x11e: {  	(tag) =	ssettag $0x2  }
0x11f: {  	s0 =	rddreg [dreg:$0x0];
	s2 =	stileid.u32  }
0x120: {  	s1 =	rddreg [dreg:$0x1];
	p0 =	sne.s32 s2, $0x0  }
0x121: {  	s3 =	rddreg [dreg:$0x2];
	[bflag:$0x3] =	sbarrier.arrive $0xFFFF;
	s2 =	simm.s32 @!p0 $0x1C04  }
0x122: {  	[timem:s3], [sflag:s2] =	dma.local @!p0 [hbm:s0], s1  }
0x123: {  	s0 =	simm.s32 @!p0 $0x4  }
0x124: {  	_ =	swait.ge @!p0 [sflag:s0], s1  }
0x125: {  	s1 =	ssub.s32 @!p0 $0x0, s1;
	[sflag:s0] =	ssyncset.done @!p0 $0x0  }
0x126: {  	[sflag:s0] =	ssyncadd.s32 @!p0 s1  }
0x127: {  	[bflag:$0x3] =	sbarrier.arrive $0xFFFF  }
0x128: {  	_ =	shalt  }

// kernel: kernel.14.cloned.1.call-start
scs
__scs_entry_jumppad:
0x0: {  	(pc) =	sbr.rel $0x88, $3  }
0x1: {  	(tag) =	ssettag $0x0;
	lr =	simm.s32 $0x1  }
0x2: {  	[smem:$0x3F9B] =	sst lr;
	_ =	strace $0xD0000000  }
0x3: {  	_ = 	snop  }
0x4: {  	_ = 	snop  }
0x5: {  	_ = 	snop  }
0x6: {  	_ = 	snop  }
0x7: {  	_ = 	snop  }
__scs_overlays_trampoline_lowered:
0x8: {  	[smem:$0x3FAA] =	sst s0  }
0x9: {  	[smem:$0x3FAB] =	sst s1  }
0xa: {  	[smem:$0x3FAC] =	sst s2  }
0xb: {  	[smem:$0x3FAD] =	sst s3  }
0xc: {  	[smem:$0x3FAE] =	sst s4  }
0xd: {  	[smem:$0x3FAF] =	sst s5  }
0xe: {  	[smem:$0x3FB0] =	sst s6  }
0xf: {  	[smem:$0x3FB1] =	sst s7  }
0x10: {  	[smem:$0x3FB2] =	sst s8  }
0x11: {  	[smem:$0x3FB3] =	sst s9;
	s0 =	simm.s32 @!p0 $0x0  }
0x12: {  	s1 =	sld [smem:$0x3F99];
	s0 =	simm.s32 @p0 $0x1  }
0x13: {  	[smem:$0x3FB4] =	sst s0;
	s0 =	simm.s32 @!p1 $0x0  }
0x14: {  	s2 =	sld [smem:$0x3F98];
	s0 =	simm.s32 @p1 $0x1  }
0x15: {  	[smem:$0x3FB5] =	sst s0;
	s0 =	simm.s32 @!p2 $0x0  }
0x16: {  	s3 =	sld [smem:$0x3FDB];
	s0 =	simm.s32 @p2 $0x1  }
0x17: {  	s4 =	simm.s32 $0x1BF5;
	[smem:$0x3FB7] =	sst s0  }
0x18: {  	s0 =	sld [smem:$0x3F9A];
	_ =	swait.ge [sflag:s4], $0x0  }
0x19: {  	s7 =	sld [smem:$0x3F9B]  }
0x1a: {  	s8 =	sadd.s32 $0xFFFFE003, lr  }
0x1b: {  	s9 =	sadd.s32 $0xFFFFFEF7, lr;
	s5 =	simm.s32 $0xFFFFFFFF;
	p2 =	slt.u32 s8, $0xFFFFF086  }
0x1c: {  	p1 =	slt.u32 s9, $0xF7A;
	s5 =	simm.s32 @!p2 $0x0  }
0x1d: {  	s5 =	simm.s32 @p1 $0x1;
	p0 =	seq.s32 s7, s2  }
0x1e: {  	s7 =	smul.u32 @!p0 $0xF7A, s2;
	p2 =	seq.s32 @!p0 s5, $0x0  }
0x1f: {  	s9 =	smul.u32 $0xF7A, s1;
	s8 =	simm.s32 @!p0 $0x1BF5;
	p2 =	por !p2, p0  }
0x20: {  	[sflag:s8] =	ssyncset.s32 @!p0 $0xFFFFF086;
	s6 =	sadd.s32 @!p0 s3, s7;
	s7 =	simm.s32 @!p0 $0x108  }
0x21: {  	s3 =	sadd.s32 s3, s9;
	s6 =	sadd.s32 @!p0 $0x88, s6;
	s7 =	simm.s32 @p2 $0x1082  }
0x22: {  	[simem:s7], [sflag:s8] =	dma.local @!p0 [hbm:s6], $0xF7A  }
0x23: {  	s9 =	sor.u32 $0xD0000000, s2;
	s6 =	simm.s32 $0x108;
	_ =	swait.ge @!p0 [sflag:s8], $0x0  }
0x24: {  	s3 =	sadd.s32 $0x88, s3;
	s6 =	simm.s32 @!p1 $0x1082;
	[sflag:s4] =	ssyncset.s32 $0xFFFFF086  }
0x25: {  	[simem:s6], [sflag:s4] =	dma.local [hbm:s3], $0xF7A  }
0x26: {  	[smem:$0x3F9B] =	sst s1;
	(tag) =	ssettag s2;
	_ =	strace s9  }
0x27: {  	s1 =	sld [smem:$0x3FAB]  }
0x28: {  	s2 =	sld [smem:$0x3FAC]  }
0x29: {  	s4 =	sld [smem:$0x3FAE]  }
0x2a: {  	p0 =	seq.s32 s5, $0x0;
	s5 =	sld [smem:$0x3FAF]  }
0x2b: {  	s6 =	sld [smem:$0x3FB0]  }
0x2c: {  	s7 =	sld [smem:$0x3FB1]  }
0x2d: {  	s3 =	simm.s32 $0x108;
	s8 =	sld [smem:$0x3FB2]  }
0x2e: {  	s3 =	simm.s32 @!p0 $0x1082;
	s9 =	sld [smem:$0x3FB3]  }
0x2f: {  	lr =	sadd.s32 s0, s3;
	s0 =	sld [smem:$0x3FAA]  }
0x30: {  	s3 =	sld [smem:$0x3FAD]  }
0x31: {  	[smem:$0x3FB6] =	sst s10  }
0x32: {  	s10 =	sld [smem:$0x3FB4];
	_ =	sdelay $0x3  }
0x33: {  	p0 =	seq.s32 s10, $0x1;
	s10 =	sld [smem:$0x3FB6];
	_ =	sdelay $0x3  }
0x34: {  	[smem:$0x3FB6] =	sst s10  }
0x35: {  	s10 =	sld [smem:$0x3FB5];
	_ =	sdelay $0x3  }
0x36: {  	p1 =	seq.s32 s10, $0x1;
	s10 =	sld [smem:$0x3FB6];
	_ =	sdelay $0x3  }
0x37: {  	[smem:$0x3FB6] =	sst s10  }
0x38: {  	s10 =	sld [smem:$0x3FB7]  }
0x39: {  	_ = 	snop;
	(pc) =	sbr.ind lr, $3  }
0x3a: {  	_ = 	snop  }
0x3b: {  	_ = 	snop  }
0x3c: {  	p2 =	seq.s32 s10, $0x1;
	s10 =	sld [smem:$0x3FB6]  }
0x3d: {  	_ =	shalt  }
0x3e: {  	_ =	shalt  }
0x3f: {  	_ =	shalt  }
0x40: {  	_ =	shalt  }
0x41: {  	_ =	shalt  }
0x42: {  	_ =	shalt  }
0x43: {  	_ =	shalt  }
0x44: {  	_ =	shalt  }
0x45: {  	_ =	shalt  }
0x46: {  	_ =	shalt  }
0x47: {  	_ =	shalt  }
0x48: {  	_ =	shalt  }
0x49: {  	_ =	shalt  }
0x4a: {  	_ =	shalt  }
0x4b: {  	_ =	shalt  }
0x4c: {  	_ =	shalt  }
0x4d: {  	_ =	shalt  }
0x4e: {  	_ =	shalt  }
0x4f: {  	_ =	shalt  }
0x50: {  	_ =	shalt  }
0x51: {  	_ =	shalt  }
0x52: {  	_ =	shalt  }
0x53: {  	_ =	shalt  }
0x54: {  	_ =	shalt  }
0x55: {  	_ =	shalt  }
0x56: {  	_ =	shalt  }
0x57: {  	_ =	shalt  }
0x58: {  	_ =	shalt  }
0x59: {  	_ =	shalt  }
0x5a: {  	_ =	shalt  }
0x5b: {  	_ =	shalt  }
0x5c: {  	_ =	shalt  }
0x5d: {  	_ =	shalt  }
0x5e: {  	_ =	shalt  }
0x5f: {  	_ =	shalt  }
0x60: {  	_ =	shalt  }
0x61: {  	_ =	shalt  }
0x62: {  	_ =	shalt  }
0x63: {  	_ =	shalt  }
0x64: {  	_ =	shalt  }
0x65: {  	_ =	shalt  }
0x66: {  	_ =	shalt  }
0x67: {  	_ =	shalt  }
0x68: {  	_ =	shalt  }
0x69: {  	_ =	shalt  }
0x6a: {  	_ =	shalt  }
0x6b: {  	_ =	shalt  }
0x6c: {  	_ =	shalt  }
0x6d: {  	_ =	shalt  }
0x6e: {  	_ =	shalt  }
0x6f: {  	_ =	shalt  }
0x70: {  	_ =	shalt  }
0x71: {  	_ =	shalt  }
0x72: {  	_ =	shalt  }
0x73: {  	_ =	shalt  }
0x74: {  	_ =	shalt  }
0x75: {  	_ =	shalt  }
0x76: {  	_ =	shalt  }
0x77: {  	_ =	shalt  }
0x78: {  	_ =	shalt  }
0x79: {  	_ =	shalt  }
0x7a: {  	_ =	shalt  }
0x7b: {  	_ =	shalt  }
0x7c: {  	_ =	shalt  }
0x7d: {  	_ =	shalt  }
0x7e: {  	_ =	shalt  }
0x7f: {  	_ =	shalt  }
0x80: {  	_ =	shalt  }
0x81: {  	_ =	shalt  }
0x82: {  	_ =	shalt  }
0x83: {  	_ =	shalt  }
0x84: {  	_ =	shalt  }
0x85: {  	_ =	shalt  }
0x86: {  	_ =	shalt  }
0x87: {  	_ =	shalt  }
.Lfunc_end0:
.L_simem_size_0:
called_computation.2_lowered:
.L_overlay_start_0:
0x88: {  	s2 =	sld [smem:$0x3FD9]  }
0x89: {  	s3 =	sld [smem:$0x3FFE];
	_ =	sdelay $0x1  }
0x8a: {  	s1 =	srdreg.scid  }
0x8b: {  	s0 =	sand.u32 $0x1, s1  }
0x8c: {  	s16 =	sshll.u32 s0, $0xA;
	s2 =	sadd.s32 s3, s2  }
0x8d: {  	s2 =	sadd.s32 s2, s16  }
0x8e: {  	[smem:$0x3FC2] =	sst s2  }
0x8f: {  	_ = 	snop  }
0x90: {  	(tm) =	ssettm $0x1  }
0x91: {  	s17 =	sld [smem:$0x3FFB];
	_ =	sdelay $0x3  }
0x92: {  	_ =	strace s17  }
0x93: {  	s2 =	sld [smem:$0x3FFC];
	_ =	sdelay $0x3  }
0x94: {  	_ =	strace s2  }
0x95: {  	s2 =	sld [smem:$0x3FFD];
	_ =	sdelay $0x3  }
0x96: {  	_ =	strace s2  }
0x97: {  	_ =	strace $0x8FFFFFFF  }
0x98: {  	s18 =	sld [smem:$0x3FDB];
	_ =	sdelay $0x1  }
0x99: {  	s19 =	simm.s32 $_scs_section_size  }
0x9a: {  	s4 =	simm.s32 $_size__tile_overlayer_lowered;
	s5 =	simm.s32 $_tile_overlayer_lowered  }
0x9b: {  	s22 =	simm.s32 $0x1BFF;
	s21 =	sshll.u32 s5, $0x1;
	s2 =	sadd.s32 s19, s18  }
0x9c: {  	s6 =	simm.s32 $0x0;
	s20 =	sshll.u32 s4, $0x1;
	s4 =	sadd.s32 s21, s2  }
0x9d: {  	[timem:s6], [sflag:s22] =	dma.local [hbm:s4], s20  }
0x9e: {  	_ =	swait.ge [sflag:s22], s20  }
0x9f: {  	s3 =	ssub.s32 $0x0, s20;
	[sflag:s22] =	ssyncset.done $0x0  }
0xa0: {  	[sflag:s22] =	ssyncadd.s32 s3;
	_ =	sdelay $0x1  }
0xa1: {  	s23 =	simm.s32 $0x1B8B  }
0xa2: {  	_ =	swait.ge [sflag:s23], $0x1  }
0xa3: {  	[sflag:s23] =	ssyncset.done $0x0  }
0xa4: {  	s25 =	simm.s32 $0x1B8E;
	s24 =	sld [smem:$0x3FFE];
	[sflag:s23] =	ssyncadd.s32 $0xFFFFFFFF  }
0xa5: {  	s26 =	simm.s32 $execute0_lowered;
	[smem:$0x3FD2] =	sst s25  }
0xa6: {  	s4 =	sshll.u32 s26, $0x1;
	_ =	strace $0x8000004C;
	[dreg:$0x1] =	wrdreg $0xFFFFFFFF  }
0xa7: {  	s28 =	simm.s32 $_size_execute0_lowered;
	s2 =	sadd.s32 s2, s4;
	[dreg:$0x0] =	wrdreg $0x0  }
0xa8: {  	s4 =	sshll.u32 s28, $0x1;
	[dreg:$0x2] =	wrdreg s2  }
0xa9: {  	[dreg:$0x3] =	wrdreg s4  }
0xaa: {  	[dreg:$0x4] =	wrdreg $0xC0  }
0xab: {  	_ =	task [dreg:s6], $0x5FFFF  }
0xac: {  	[dreg:$0x1] =	wrdreg $0xFFFFFFFF  }
0xad: {  	[dreg:$0x0] =	wrdreg $0x60  }
0xae: {  	[dreg:$0x2] =	wrdreg s24  }
0xaf: {  	[dreg:$0x3] =	wrdreg $0x9  }
0xb0: {  	_ =	task.clear_ibuf [dreg:s6], $0x4FFFF;
	_ =	strace $0x9000004C  }
0xb1: {  	s29 =	simm.s32 $0x9;
	_ =	strace $0x8000004E  }
0xb2: {  	_ =	swait.ge [sflag:s29], $0x1  }
0xb3: {  	[sflag:s29] =	ssyncadd.s32 $0xFFFFFFFF  }
0xb4: {  	_ =	strace $0x9000004E  }
0xb5: {  	_ =	sfence  }
0xb6: {  	s30 =	sld [smem:$0x0];
	_ =	sdelay $0x2  }
0xb7: {  	s31 =	sshll.u32 s1, $0xD;
	s1 =	sshrl.u32 s1, $0x2  }
0xb8: {  	s3 =	sand.u32 $0x4000, s31;
	s1 =	sadd.s32 s1, s30  }
0xb9: {  	s0 =	sor.u32 s3, s0;
	s1 =	sshll.u32 s1, $0x11  }
0xba: {  	s0 =	sor.u32 s1, s0  }
0xbb: {  	s0 =	sadd.s32 $0x8F2B, s0  }
0xbc: {  	[sflag:s0] =	ssyncadd.remote.s32 $0x1  }
0xbd: {  	_ =	sfence.sel $0xFFFF  }
0xbe: {  	[dreg:$0x0] =	wrdreg $0xFFFFFFFF;
	(pc) =	sbr.abs _section_cstart, $3  }
0xbf: {  	[dreg:$0x1] =	wrdreg $0xFFFFFFFF  }
0xc0: {  	_ =	task.clear_ibuf [dreg:s6], $0x2FFFF;
	_ =	strace $0x9FFFFFFF  }
0xc1: {  	(tm) =	ssettm $0x7FFFFFFF  }
tec
execute0_lowered:
.L_overlay_start_1:
0x0: {  	(tag) =	ssettag $0x1  }
0x1: {  	s0 =	srdreg.scid  }
0x2: {  	s4 =	rddreg [dreg:$0x0];
	s1 =	stileid.u32  }
0x3: {  	s10 =	simm.s32 $0x2780;
	s11 =	simm.s32 $0x7700;
	s3 =	sand.u32 $0x1, s0  }
0x4: {  	s12 =	simm.s32 $0x80;
	s13 =	simm.s32 $0x400;
	s2 =	sshll.u32 s3, $0x4  }
0x5: {  	s0 =	rddreg [dreg:$0x1];
	s7 =	sshll.u32 s1, $0x7;
	s5 =	sor.u32 s1, s2  }
0x6: {  	s7 =	sand.u32 $0x380, s7;
	s6 =	smul.u32 $0x4E2, s5;
	s5 =	sshrl.u32 s5, $0x3  }
0x7: {  	s31 =	ssub.s32 $0x2, s3;
	s2 =	simm.s32 $0x0;
	s5 =	smul.u32 $0x14000, s5  }
0x8: {  	s3 =	sadd.s32 $0x15200, s4;
	s8 =	sshrl.u32 s31, $0x1;
	[smem:$0x7FF] =	sst s2  }
0x9: {  	_ =	strace $0x8000004D;
	s6 =	sadd.s32 s6, s4;
	s5 =	sor.u32 s7, s5  }
0xa: {  	s7 =	ssub.s32 s31, s8;
	s8 =	simm.s32 $0x4F00;
	s5 =	sshrl.u32 s5, $0x3  }
0xb: {  	s7 =	smax.u32 s7, $0x1;
	s9 =	sadd.s32 s5, s4;
	s4 =	sadd.s32 $0xB400, s6  }
0xc: {  	v0 =	vimm.f32 $0.0e+00;
	s5 =	sadd.s32 $0x1600, s6;
	s6 =	sadd.s32 $0x15800, s9;
	s9 =	simm.s32 $0x1  }
.LBB2_1:
0xd: {  	s14 =	simm.s32 $0x40;
	s15 =	simm.s32 $0x0  }
.LBB2_2:
0xe: {  	p0 =	sne.s32 s14, $0x9FC0;
	[tilespmem:s15+$0x7700] =	vst v0;
	s15 =	smov.u32 s14;
	s14 =	sadd.s32 $0x40, s14  }
.Ltmp0:
0xf: {  	(pc) =	sbr.rel @p0 .LBB2_2-.Ltmp0, $2  }
0x10: {  	_ =	sdelay $0x2  }
0x11: {  	s15 =	sshra.s32 s15, $0x2  }
0x12: {  	[tilespmem:s15+$0x7700] =	vst v0;
	s14 =	simm.s32 $0x0  }
0x13: {  	[tilespmem:s8], [sflag:$0x1] =	stream.linear.gather [hbm4b:s3+s14], $0x2800, $0x38;
	[tilespmem:$0x9F00] =	vst v63  }
0x14: {  	_ =	swait.ge [sflag:s9], $0x2800  }
0x15: {  	[sflag:s9] =	ssyncset.done $0x0  }
0x16: {  	[sflag:s9] =	ssyncadd.s32 $0xFFFFD800  }
0x17: {  	[tilespmem:s14], [sflag:$0x1] =	stream.linear.gather [hbm4b:s4+s14], $0x2710, $0x38;
	[tilespmem:$0x9F00] =	vst v63  }
0x18: {  	_ =	swait.ge [sflag:s9], $0x2710  }
0x19: {  	[sflag:s9] =	ssyncset.done $0x0  }
0x1a: {  	[sflag:s9] =	ssyncadd.s32 $0xFFFFD8F0  }
0x1b: {  	[tilespmem:s10], [sflag:$0x1] =	stream.linear.gather [hbm4b:s5+s14], $0x2710, $0x38;
	[tilespmem:$0x9F00] =	vst v63  }
0x1c: {  	_ =	swait.ge [sflag:s9], $0x2710  }
0x1d: {  	[sflag:s9] =	ssyncset.done $0x0  }
0x1e: {  	s15 =	simm.s32 $0x0;
	s14 =	simm.s32 $0x40;
	[sflag:s9] =	ssyncadd.s32 $0xFFFFD8F0  }
.LBB2_4:
0x1f: {  	p0 =	sne.s32 s14, $0x9C00;
	v1 =	vld [tilespmem:s15+$0x0];
	_ =	sdelay $0x5  }
0x20: {  	v2 =	vld [tilespmem:s15+$0x2780];
	_ =	sdelay $0x1  }
0x21: {  	v1 =	vld.idx.msk [tilespmem:v1+s8+$0x0], $0xffff;
	_ =	sdelay $0x1  }
.Ltmp1:
0x22: {  	(pc) =	sbr.rel @p0 .LBB2_4-.Ltmp1, $2  }
0x23: {  	_ =	sdelay $0x2  }
0x24: {  	s15 =	sshra.s32 s14, $0x2;
	s14 =	sadd.s32 $0x40, s14;
	[tilespmem:v2+s11+$0x0] =	vst.idx.add.f32.msk $0xffff, v1  }
0x25: {  	v1 =	vld [tilespmem:s15+$0x0];
	_ =	sdelay $0x4  }
0x26: {  	v2 =	vld [tilespmem:s15+$0x2780];
	_ =	sdelay $0x2  }
0x27: {  	v1 =	vld.idx.msk [tilespmem:v1+s8+$0x0], $0xffff;
	_ =	sdelay $0x2  }
0x28: {  	s2 =	sadd.s32 $0x1, s2  }
0x29: {  	p0 =	sne.s32 s2, s7  }
.Ltmp2:
0x2a: {  	[tilespmem:v2+s11+$0x0] =	vst.idx.add.f32.msk $0xffff, v1;
	(pc) =	sbr.rel @p0 .LBB2_1-.Ltmp2, $4  }
0x2b: {  	[hbm4b:s6+s12] =	stream.strided.scatter [tilespmem:s11], [sflag:$0x1], $0x2800, s13, s12, $0x38;
	[tilespmem:$0x9F00] =	vst v63  }
0x2c: {  	_ =	swait.ge [sflag:s9], $0x2800  }
0x2d: {  	[sflag:s9] =	ssyncset.done $0x0  }
0x2e: {  	[sflag:s9] =	ssyncadd.s32 $0xFFFFD800  }
0x2f: {  	_ =	sfence.sel $0x180000  }
0x30: {  	[bflag:$0x0] =	sbarrier.arrive $0xFFFF  }
0x31: {  	p0 =	sne.s32 s1, $0x0;
	_ =	strace $0x9000004D  }
0x32: {  	s0 =	sadd.s32 @!p0 $0x100000, s0;
	[bflag:$0x2] =	sbarrier.arrive $0xFFFF  }
0x33: {  	[sflag:s0] =	ssyncadd.tile.s32 @!p0 $0x1;
	_ =	shalt  }
.Lfunc_end2:
_tile_overlayer_lowered:
.L_overlay_start_2:
0x34: {  	(tag) =	ssettag $0x2  }
0x35: {  	s0 =	rddreg [dreg:$0x0];
	s2 =	stileid.u32  }
0x36: {  	s1 =	rddreg [dreg:$0x1];
	p0 =	sne.s32 s2, $0x0  }
0x37: {  	s3 =	rddreg [dreg:$0x2];
	[bflag:$0x3] =	sbarrier.arrive $0xFFFF;
	s2 =	simm.s32 @!p0 $0x1C01  }
0x38: {  	[timem:s3], [sflag:s2] =	dma.local @!p0 [hbm:s0], s1  }
0x39: {  	s0 =	simm.s32 @!p0 $0x1  }
0x3a: {  	_ =	swait.ge @!p0 [sflag:s0], s1  }
0x3b: {  	s1 =	ssub.s32 @!p0 $0x0, s1;
	[sflag:s0] =	ssyncset.done @!p0 $0x0  }
0x3c: {  	[sflag:s0] =	ssyncadd.s32 @!p0 s1  }
0x3d: {  	[bflag:$0x3] =	sbarrier.arrive $0xFFFF  }
0x3e: {  	_ =	shalt  }

// kernel: kernel.8.cloned.1.call-start
scs
__scs_entry_jumppad:
0x0: {  	(pc) =	sbr.rel $0x88, $3  }
0x1: {  	(tag) =	ssettag $0x0;
	lr =	simm.s32 $0x1  }
0x2: {  	[smem:$0x3F9B] =	sst lr;
	_ =	strace $0xD0000000  }
0x3: {  	_ = 	snop  }
0x4: {  	_ = 	snop  }
0x5: {  	_ = 	snop  }
0x6: {  	_ = 	snop  }
0x7: {  	_ = 	snop  }
__scs_overlays_trampoline_lowered:
0x8: {  	[smem:$0x3FAA] =	sst s0  }
0x9: {  	[smem:$0x3FAB] =	sst s1  }
0xa: {  	[smem:$0x3FAC] =	sst s2  }
0xb: {  	[smem:$0x3FAD] =	sst s3  }
0xc: {  	[smem:$0x3FAE] =	sst s4  }
0xd: {  	[smem:$0x3FAF] =	sst s5  }
0xe: {  	[smem:$0x3FB0] =	sst s6  }
0xf: {  	[smem:$0x3FB1] =	sst s7  }
0x10: {  	[smem:$0x3FB2] =	sst s8  }
0x11: {  	[smem:$0x3FB3] =	sst s9;
	s0 =	simm.s32 @!p0 $0x0  }
0x12: {  	s1 =	sld [smem:$0x3F99];
	s0 =	simm.s32 @p0 $0x1  }
0x13: {  	[smem:$0x3FB4] =	sst s0;
	s0 =	simm.s32 @!p1 $0x0  }
0x14: {  	s2 =	sld [smem:$0x3F98];
	s0 =	simm.s32 @p1 $0x1  }
0x15: {  	[smem:$0x3FB5] =	sst s0;
	s0 =	simm.s32 @!p2 $0x0  }
0x16: {  	s3 =	sld [smem:$0x3FDB];
	s0 =	simm.s32 @p2 $0x1  }
0x17: {  	s4 =	simm.s32 $0x1BF5;
	[smem:$0x3FB7] =	sst s0  }
0x18: {  	s0 =	sld [smem:$0x3F9A];
	_ =	swait.ge [sflag:s4], $0x0  }
0x19: {  	s7 =	sld [smem:$0x3F9B]  }
0x1a: {  	s8 =	sadd.s32 $0xFFFFE003, lr  }
0x1b: {  	s9 =	sadd.s32 $0xFFFFFEF7, lr;
	s5 =	simm.s32 $0xFFFFFFFF;
	p2 =	slt.u32 s8, $0xFFFFF086  }
0x1c: {  	p1 =	slt.u32 s9, $0xF7A;
	s5 =	simm.s32 @!p2 $0x0  }
0x1d: {  	s5 =	simm.s32 @p1 $0x1;
	p0 =	seq.s32 s7, s2  }
0x1e: {  	s7 =	smul.u32 @!p0 $0xF7A, s2;
	p2 =	seq.s32 @!p0 s5, $0x0  }
0x1f: {  	s9 =	smul.u32 $0xF7A, s1;
	s8 =	simm.s32 @!p0 $0x1BF5;
	p2 =	por !p2, p0  }
0x20: {  	[sflag:s8] =	ssyncset.s32 @!p0 $0xFFFFF086;
	s6 =	sadd.s32 @!p0 s3, s7;
	s7 =	simm.s32 @!p0 $0x108  }
0x21: {  	s3 =	sadd.s32 s3, s9;
	s6 =	sadd.s32 @!p0 $0x88, s6;
	s7 =	simm.s32 @p2 $0x1082  }
0x22: {  	[simem:s7], [sflag:s8] =	dma.local @!p0 [hbm:s6], $0xF7A  }
0x23: {  	s9 =	sor.u32 $0xD0000000, s2;
	s6 =	simm.s32 $0x108;
	_ =	swait.ge @!p0 [sflag:s8], $0x0  }
0x24: {  	s3 =	sadd.s32 $0x88, s3;
	s6 =	simm.s32 @!p1 $0x1082;
	[sflag:s4] =	ssyncset.s32 $0xFFFFF086  }
0x25: {  	[simem:s6], [sflag:s4] =	dma.local [hbm:s3], $0xF7A  }
0x26: {  	[smem:$0x3F9B] =	sst s1;
	(tag) =	ssettag s2;
	_ =	strace s9  }
0x27: {  	s1 =	sld [smem:$0x3FAB]  }
0x28: {  	s2 =	sld [smem:$0x3FAC]  }
0x29: {  	s4 =	sld [smem:$0x3FAE]  }
0x2a: {  	p0 =	seq.s32 s5, $0x0;
	s5 =	sld [smem:$0x3FAF]  }
0x2b: {  	s6 =	sld [smem:$0x3FB0]  }
0x2c: {  	s7 =	sld [smem:$0x3FB1]  }
0x2d: {  	s3 =	simm.s32 $0x108;
	s8 =	sld [smem:$0x3FB2]  }
0x2e: {  	s3 =	simm.s32 @!p0 $0x1082;
	s9 =	sld [smem:$0x3FB3]  }
0x2f: {  	lr =	sadd.s32 s0, s3;
	s0 =	sld [smem:$0x3FAA]  }
0x30: {  	s3 =	sld [smem:$0x3FAD]  }
0x31: {  	[smem:$0x3FB6] =	sst s10  }
0x32: {  	s10 =	sld [smem:$0x3FB4];
	_ =	sdelay $0x3  }
0x33: {  	p0 =	seq.s32 s10, $0x1;
	s10 =	sld [smem:$0x3FB6];
	_ =	sdelay $0x3  }
0x34: {  	[smem:$0x3FB6] =	sst s10  }
0x35: {  	s10 =	sld [smem:$0x3FB5];
	_ =	sdelay $0x3  }
0x36: {  	p1 =	seq.s32 s10, $0x1;
	s10 =	sld [smem:$0x3FB6];
	_ =	sdelay $0x3  }
0x37: {  	[smem:$0x3FB6] =	sst s10  }
0x38: {  	s10 =	sld [smem:$0x3FB7]  }
0x39: {  	_ = 	snop;
	(pc) =	sbr.ind lr, $3  }
0x3a: {  	_ = 	snop  }
0x3b: {  	_ = 	snop  }
0x3c: {  	p2 =	seq.s32 s10, $0x1;
	s10 =	sld [smem:$0x3FB6]  }
0x3d: {  	_ =	shalt  }
0x3e: {  	_ =	shalt  }
0x3f: {  	_ =	shalt  }
0x40: {  	_ =	shalt  }
0x41: {  	_ =	shalt  }
0x42: {  	_ =	shalt  }
0x43: {  	_ =	shalt  }
0x44: {  	_ =	shalt  }
0x45: {  	_ =	shalt  }
0x46: {  	_ =	shalt  }
0x47: {  	_ =	shalt  }
0x48: {  	_ =	shalt  }
0x49: {  	_ =	shalt  }
0x4a: {  	_ =	shalt  }
0x4b: {  	_ =	shalt  }
0x4c: {  	_ =	shalt  }
0x4d: {  	_ =	shalt  }
0x4e: {  	_ =	shalt  }
0x4f: {  	_ =	shalt  }
0x50: {  	_ =	shalt  }
0x51: {  	_ =	shalt  }
0x52: {  	_ =	shalt  }
0x53: {  	_ =	shalt  }
0x54: {  	_ =	shalt  }
0x55: {  	_ =	shalt  }
0x56: {  	_ =	shalt  }
0x57: {  	_ =	shalt  }
0x58: {  	_ =	shalt  }
0x59: {  	_ =	shalt  }
0x5a: {  	_ =	shalt  }
0x5b: {  	_ =	shalt  }
0x5c: {  	_ =	shalt  }
0x5d: {  	_ =	shalt  }
0x5e: {  	_ =	shalt  }
0x5f: {  	_ =	shalt  }
0x60: {  	_ =	shalt  }
0x61: {  	_ =	shalt  }
0x62: {  	_ =	shalt  }
0x63: {  	_ =	shalt  }
0x64: {  	_ =	shalt  }
0x65: {  	_ =	shalt  }
0x66: {  	_ =	shalt  }
0x67: {  	_ =	shalt  }
0x68: {  	_ =	shalt  }
0x69: {  	_ =	shalt  }
0x6a: {  	_ =	shalt  }
0x6b: {  	_ =	shalt  }
0x6c: {  	_ =	shalt  }
0x6d: {  	_ =	shalt  }
0x6e: {  	_ =	shalt  }
0x6f: {  	_ =	shalt  }
0x70: {  	_ =	shalt  }
0x71: {  	_ =	shalt  }
0x72: {  	_ =	shalt  }
0x73: {  	_ =	shalt  }
0x74: {  	_ =	shalt  }
0x75: {  	_ =	shalt  }
0x76: {  	_ =	shalt  }
0x77: {  	_ =	shalt  }
0x78: {  	_ =	shalt  }
0x79: {  	_ =	shalt  }
0x7a: {  	_ =	shalt  }
0x7b: {  	_ =	shalt  }
0x7c: {  	_ =	shalt  }
0x7d: {  	_ =	shalt  }
0x7e: {  	_ =	shalt  }
0x7f: {  	_ =	shalt  }
0x80: {  	_ =	shalt  }
0x81: {  	_ =	shalt  }
0x82: {  	_ =	shalt  }
0x83: {  	_ =	shalt  }
0x84: {  	_ =	shalt  }
0x85: {  	_ =	shalt  }
0x86: {  	_ =	shalt  }
0x87: {  	_ =	shalt  }
.Lfunc_end0:
.L_simem_size_0:
called_computation_lowered:
.L_overlay_start_0:
0x88: {  	s2 =	sld [smem:$0x3FD9]  }
0x89: {  	s3 =	sld [smem:$0x3FFE];
	_ =	sdelay $0x1  }
0x8a: {  	s1 =	srdreg.scid  }
0x8b: {  	s0 =	sand.u32 $0x1, s1  }
0x8c: {  	s16 =	sshll.u32 s0, $0xA;
	s2 =	sadd.s32 s3, s2  }
0x8d: {  	s2 =	sadd.s32 s2, s16  }
0x8e: {  	[smem:$0x3FC2] =	sst s2  }
0x8f: {  	_ = 	snop  }
0x90: {  	(tm) =	ssettm $0x1  }
0x91: {  	s17 =	sld [smem:$0x3FFB];
	_ =	sdelay $0x3  }
0x92: {  	_ =	strace s17  }
0x93: {  	s2 =	sld [smem:$0x3FFC];
	_ =	sdelay $0x3  }
0x94: {  	_ =	strace s2  }
0x95: {  	s2 =	sld [smem:$0x3FFD];
	_ =	sdelay $0x3  }
0x96: {  	_ =	strace s2  }
0x97: {  	_ =	strace $0x8FFFFFFF  }
0x98: {  	s18 =	sld [smem:$0x3FDB];
	_ =	sdelay $0x1  }
0x99: {  	s19 =	simm.s32 $_scs_section_size  }
0x9a: {  	s4 =	simm.s32 $_size__tile_overlayer_lowered;
	s5 =	simm.s32 $_tile_overlayer_lowered  }
0x9b: {  	s22 =	simm.s32 $0x1BFF;
	s21 =	sshll.u32 s5, $0x1;
	s2 =	sadd.s32 s19, s18  }
0x9c: {  	s6 =	simm.s32 $0x0;
	s20 =	sshll.u32 s4, $0x1;
	s4 =	sadd.s32 s21, s2  }
0x9d: {  	[timem:s6], [sflag:s22] =	dma.local [hbm:s4], s20  }
0x9e: {  	_ =	swait.ge [sflag:s22], s20  }
0x9f: {  	s3 =	ssub.s32 $0x0, s20;
	[sflag:s22] =	ssyncset.done $0x0  }
0xa0: {  	[sflag:s22] =	ssyncadd.s32 s3;
	_ =	sdelay $0x1  }
0xa1: {  	s23 =	simm.s32 $0x1B8B  }
0xa2: {  	_ =	swait.ge [sflag:s23], $0x1  }
0xa3: {  	[sflag:s23] =	ssyncset.done $0x0  }
0xa4: {  	s25 =	simm.s32 $0x1B8E;
	s24 =	sld [smem:$0x3FFE];
	[sflag:s23] =	ssyncadd.s32 $0xFFFFFFFF  }
0xa5: {  	s26 =	simm.s32 $execute0_lowered;
	[smem:$0x3FD2] =	sst s25  }
0xa6: {  	s4 =	sshll.u32 s26, $0x1;
	_ =	strace $0x80000046;
	[dreg:$0x1] =	wrdreg $0xFFFFFFFF  }
0xa7: {  	s28 =	simm.s32 $_size_execute0_lowered;
	s2 =	sadd.s32 s2, s4;
	[dreg:$0x0] =	wrdreg $0x0  }
0xa8: {  	s4 =	sshll.u32 s28, $0x1;
	[dreg:$0x2] =	wrdreg s2  }
0xa9: {  	[dreg:$0x3] =	wrdreg s4  }
0xaa: {  	[dreg:$0x4] =	wrdreg $0xC0  }
0xab: {  	_ =	task [dreg:s6], $0x5FFFF  }
0xac: {  	[dreg:$0x1] =	wrdreg $0xFFFFFFFF  }
0xad: {  	[dreg:$0x0] =	wrdreg $0x60  }
0xae: {  	[dreg:$0x2] =	wrdreg s24  }
0xaf: {  	[dreg:$0x3] =	wrdreg $0x9  }
0xb0: {  	_ =	task.clear_ibuf [dreg:s6], $0x4FFFF;
	_ =	strace $0x90000046  }
0xb1: {  	s29 =	simm.s32 $0x9;
	_ =	strace $0x80000048  }
0xb2: {  	_ =	swait.ge [sflag:s29], $0x1  }
0xb3: {  	[sflag:s29] =	ssyncadd.s32 $0xFFFFFFFF  }
0xb4: {  	_ =	strace $0x90000048  }
0xb5: {  	_ =	sfence  }
0xb6: {  	s30 =	sld [smem:$0x0];
	_ =	sdelay $0x2  }
0xb7: {  	s31 =	sshll.u32 s1, $0xD;
	s1 =	sshrl.u32 s1, $0x2  }
0xb8: {  	s3 =	sand.u32 $0x4000, s31;
	s1 =	sadd.s32 s1, s30  }
0xb9: {  	s0 =	sor.u32 s3, s0;
	s1 =	sshll.u32 s1, $0x11  }
0xba: {  	s0 =	sor.u32 s1, s0  }
0xbb: {  	s0 =	sadd.s32 $0x8F2B, s0  }
0xbc: {  	[sflag:s0] =	ssyncadd.remote.s32 $0x1  }
0xbd: {  	_ =	sfence.sel $0xFFFF  }
0xbe: {  	[dreg:$0x0] =	wrdreg $0xFFFFFFFF;
	(pc) =	sbr.abs _section_cstart, $3  }
0xbf: {  	[dreg:$0x1] =	wrdreg $0xFFFFFFFF  }
0xc0: {  	_ =	task.clear_ibuf [dreg:s6], $0x2FFFF;
	_ =	strace $0x9FFFFFFF  }
0xc1: {  	(tm) =	ssettm $0x7FFFFFFF  }
tec
execute0_lowered:
.L_overlay_start_1:
0x0: {  	(tag) =	ssettag $0x1  }
0x1: {  	s0 =	srdreg.scid  }
0x2: {  	s3 =	sand.u32 $0x1, s0  }
0x3: {  	s4 =	rddreg [dreg:$0x0];
	s0 =	stileid.u32;
	s1 =	sshll.u32 s3, $0x4  }
0x4: {  	s2 =	simm.s32 $0x0;
	s8 =	simm.s32 $0x80;
	s5 =	sor.u32 s0, s1  }
0x5: {  	s9 =	simm.s32 $0x400;
	[smem:$0x7FF] =	sst s2;
	s6 =	sshrl.u32 s5, $0x3  }
0x6: {  	s7 =	sshll.u32 s0, $0x7;
	s3 =	ssub.s32 $0x2, s3;
	s6 =	smul.u32 $0x14000, s6  }
0x7: {  	s1 =	rddreg [dreg:$0x1];
	s7 =	sand.u32 $0x380, s7;
	s5 =	smul.u32 $0x4E2, s5  }
0x8: {  	_ =	strace $0x80000047;
	s30 =	sshrl.u32 s3, $0x1;
	s6 =	sor.u32 s7, s6  }
0x9: {  	s31 =	ssub.s32 s3, s30;
	s5 =	sadd.s32 s5, s4;
	s6 =	sshrl.u32 s6, $0x3  }
0xa: {  	s3 =	sadd.s32 $0x1600, s5;
	s5 =	smax.u32 s31, $0x1;
	s4 =	sadd.s32 s6, s4  }
0xb: {  	v0 =	vimm.f32 $0.0e+00;
	v1 =	vimm.f32 $1.000000000e+00;
	s7 =	simm.s32 $0x2780;
	s6 =	simm.s32 $0x1;
	s4 =	sadd.s32 $0x15200, s4  }
.LBB2_1:
0xc: {  	s10 =	simm.s32 $0x40;
	s11 =	simm.s32 $0x0  }
.LBB2_2:
0xd: {  	p0 =	sne.s32 s10, $0x9FC0;
	[tilespmem:s11+$0x2780] =	vst v0;
	s11 =	smov.u32 s10;
	s10 =	sadd.s32 $0x40, s10  }
.Ltmp0:
0xe: {  	(pc) =	sbr.rel @p0 .LBB2_2-.Ltmp0, $2  }
0xf: {  	_ =	sdelay $0x2  }
0x10: {  	s11 =	sshra.s32 s11, $0x2  }
0x11: {  	[tilespmem:s11+$0x2780] =	vst v0;
	s10 =	simm.s32 $0x0  }
0x12: {  	[tilespmem:s10], [sflag:$0x1] =	stream.linear.gather [hbm4b:s3+s10], $0x2710, $0x38;
	[tilespmem:$0x4F80] =	vst v63  }
0x13: {  	_ =	swait.ge [sflag:s6], $0x2710  }
0x14: {  	[sflag:s6] =	ssyncset.done $0x0  }
0x15: {  	s11 =	simm.s32 $0x0;
	s10 =	simm.s32 $0x40;
	[sflag:s6] =	ssyncadd.s32 $0xFFFFD8F0  }
.LBB2_4:
0x16: {  	p0 =	sne.s32 s10, $0x9C00;
	v2 =	vld [tilespmem:s11+$0x0];
	_ =	sdelay $0x3  }
.Ltmp1:
0x17: {  	(pc) =	sbr.rel @p0 .LBB2_4-.Ltmp1, $2  }
0x18: {  	_ =	sdelay $0x2  }
0x19: {  	s11 =	sshra.s32 s10, $0x2;
	s10 =	sadd.s32 $0x40, s10;
	[tilespmem:v2+s7+$0x0] =	vst.idx.add.f32.msk $0xffff, v1  }
0x1a: {  	v2 =	vld [tilespmem:s11+$0x0];
	_ =	sdelay $0x5  }
0x1b: {  	s2 =	sadd.s32 $0x1, s2  }
0x1c: {  	p0 =	sne.s32 s2, s5  }
.Ltmp2:
0x1d: {  	[tilespmem:v2+s7+$0x0] =	vst.idx.add.f32.msk $0xffff, v1;
	(pc) =	sbr.rel @p0 .LBB2_1-.Ltmp2, $4  }
0x1e: {  	[hbm4b:s4+s8] =	stream.strided.scatter [tilespmem:s7], [sflag:$0x1], $0x2800, s9, s8, $0x38;
	[tilespmem:$0x4F80] =	vst v63  }
0x1f: {  	_ =	swait.ge [sflag:s6], $0x2800  }
0x20: {  	[sflag:s6] =	ssyncset.done $0x0  }
0x21: {  	[sflag:s6] =	ssyncadd.s32 $0xFFFFD800  }
0x22: {  	_ =	sfence.sel $0x180000  }
0x23: {  	[bflag:$0x0] =	sbarrier.arrive $0xFFFF  }
0x24: {  	p0 =	sne.s32 s0, $0x0;
	_ =	strace $0x90000047  }
0x25: {  	s0 =	sadd.s32 @!p0 $0x100000, s1;
	[bflag:$0x2] =	sbarrier.arrive $0xFFFF  }
0x26: {  	[sflag:s0] =	ssyncadd.tile.s32 @!p0 $0x1;
	_ =	shalt  }
.Lfunc_end2:
_tile_overlayer_lowered:
.L_overlay_start_2:
0x27: {  	(tag) =	ssettag $0x2  }
0x28: {  	s0 =	rddreg [dreg:$0x0];
	s2 =	stileid.u32  }
0x29: {  	s1 =	rddreg [dreg:$0x1];
	p0 =	sne.s32 s2, $0x0  }
0x2a: {  	s3 =	rddreg [dreg:$0x2];
	[bflag:$0x3] =	sbarrier.arrive $0xFFFF;
	s2 =	simm.s32 @!p0 $0x1C01  }
0x2b: {  	[timem:s3], [sflag:s2] =	dma.local @!p0 [hbm:s0], s1  }
0x2c: {  	s0 =	simm.s32 @!p0 $0x1  }
0x2d: {  	_ =	swait.ge @!p0 [sflag:s0], s1  }
0x2e: {  	s1 =	ssub.s32 @!p0 $0x0, s1;
	[sflag:s0] =	ssyncset.done @!p0 $0x0  }
0x2f: {  	[sflag:s0] =	ssyncadd.s32 @!p0 s1  }
0x30: {  	[bflag:$0x3] =	sbarrier.arrive $0xFFFF  }
0x31: {  	_ =	shalt  }

</sc_bundles>
